<compile_context>
chip_gen: v7x
topology: tpu7x:2x2x1
jax: 0.10.2.dev20260603
libtpu: 0.0.44.dev20260713+nightly
codegen_flags: <defaults>
</compile_context>

<pallas_src>
import functools

import jax
import jax.numpy as jnp
from jax import lax
from jax.experimental import pallas as pl
from jax.experimental.pallas import tpu as pltpu
from jax.experimental.pallas import tpu_sc as plsc

_L = 16
_D = 8192
_NV = _D // _L
_R = 2048
_NC = 2
_NS = 16
_NW = _NC * _NS
_RPW = _R // _NW
_KMAX = 20
_TOL = 1.0e-5
_NEG = -1.0e30


def _sc_sparsemax(x_flat):
    mesh = plsc.VectorSubcoreMesh(core_axis_name="c", subcore_axis_name="s")

    @functools.partial(
        pl.kernel,
        mesh=mesh,
        compiler_params=pltpu.CompilerParams(needs_layout_passes=False),
        out_type=jax.ShapeDtypeStruct((64, 32, _D), jnp.float32),
        scratch_types=[
            pltpu.VMEM((_D,), jnp.float32),
            pltpu.VMEM((_D,), jnp.float32),
            pltpu.VMEM((_D,), jnp.float32),
            pltpu.VMEM((_D,), jnp.float32),
            pltpu.VMEM((_D,), jnp.float32),
            pltpu.SemaphoreType.DMA,
            pltpu.SemaphoreType.DMA,
            pltpu.SemaphoreType.DMA,
            pltpu.SemaphoreType.DMA,
        ],
    )
    def k(x_hbm, out_hbm, xbuf0, xbuf1, obuf0, obuf1, cand,
          in_sem0, in_sem1, out_sem0, out_sem1):
        cid = lax.axis_index("c")
        sid = lax.axis_index("s")
        wid = sid * _NC + cid
        base = wid * _RPW

        zeros = jnp.zeros((_L,), jnp.float32)
        lanes = lax.iota(jnp.int32, _L)
        lane_base = lanes * _NV

        def splat(s):
            return zeros + s

        def start_in(r, buf, sem):
            g = base + r
            pltpu.make_async_copy(
                x_hbm.at[lax.div(g, 32), lax.rem(g, 32)], buf, sem).start()

        def wait_in(buf, sem):
            pltpu.make_async_copy(x_hbm.at[0, 0], buf, sem).wait()

        def start_out(r, buf, sem):
            g = base + r
            pltpu.make_async_copy(
                buf, out_hbm.at[lax.div(g, 32), lax.rem(g, 32)], sem).start()

        def wait_out(buf, sem):
            pltpu.make_async_copy(buf, out_hbm.at[0, 0], sem).wait()

        def compute_tau(xbuf):
            neg = splat(_NEG)

            @plsc.parallel_loop(0, _D, step=4 * _L, unroll=2,
                                carry=(neg, neg, neg, neg))
            def max_loop(b, ms):
                m0, m1, m2, m3 = ms
                m0 = jnp.maximum(m0, xbuf[pl.ds(b, _L)])
                m1 = jnp.maximum(m1, xbuf[pl.ds(b + _L, _L)])
                m2 = jnp.maximum(m2, xbuf[pl.ds(b + 2 * _L, _L)])
                m3 = jnp.maximum(m3, xbuf[pl.ds(b + 3 * _L, _L)])
                return m0, m1, m2, m3

            m0, m1, m2, m3 = max_loop
            rowmax = jnp.max(jnp.maximum(jnp.maximum(m0, m1),
                                         jnp.maximum(m2, m3)))
            lo_s = rowmax - 1.0
            lo_v = splat(lo_s)

            @plsc.parallel_loop(0, _D, step=_L, unroll=8,
                                carry=jnp.zeros((_L,), jnp.int32))
            def compact_loop(b, cnts):
                v = xbuf[pl.ds(b, _L)]
                msk = v > lo_v
                plsc.store_scatter(cand, [lane_base + cnts], v, mask=msk)
                return cnts + msk.astype(jnp.int32)

            cnts = compact_loop
            maxcnt = jnp.maximum(jnp.max(cnts), 1)

            def eval_gc(t):
                @plsc.parallel_loop(0, maxcnt, step=1, unroll=2,
                                    carry=(zeros, zeros))
                def ev_loop(j, sc):
                    a, cnt = sc
                    v = plsc.load_gather(cand, [lane_base + j])
                    v = jnp.where(cnts > j, v, _NEG) - t
                    a = a + jnp.maximum(v, 0.0)
                    cnt = cnt + jnp.where(v > 0.0, 1.0, 0.0)
                    return a, cnt

                a, cnt = ev_loop
                return splat(jnp.sum(a)), splat(jnp.sum(cnt))

            g0, c0 = eval_gc(lo_v)
            c0 = jnp.maximum(c0, 1.0)

            def w_cond(st):
                i, lo, hi, g_lo, c_lo = st
                return jnp.logical_and(i < _KMAX, hi[0] - lo[0] > _TOL)

            def w_body(st):
                i, lo, hi, g_lo, c_lo = st
                t_n = lo + (g_lo - 1.0) / c_lo
                t = jnp.clip(jnp.maximum(t_n, 0.5 * (lo + hi)), lo, hi)
                g_t, c_t = eval_gc(t)
                below = g_t > 1.0
                return (i + 1,
                        jnp.where(below, t, lo),
                        jnp.where(below, hi, t),
                        jnp.where(below, g_t, g_lo),
                        jnp.where(below, c_t, c_lo))

            st0 = (jnp.int32(0), lo_v, splat(rowmax), g0, c0)
            _, lo, hi, g_lo, c_lo = lax.while_loop(w_cond, w_body, st0)
            return jnp.clip(lo + (g_lo - 1.0) / c_lo, lo, hi)

        def write_row(xbuf, obuf, tau):
            @plsc.parallel_loop(0, _D, step=_L, unroll=8)
            def w_loop(b):
                v = xbuf[pl.ds(b, _L)] - tau
                obuf[pl.ds(b, _L)] = jnp.maximum(v, 0.0)

        start_in(0, xbuf0, in_sem0)

        def pair_body(i, carry):
            r0 = i * 2

            wait_in(xbuf0, in_sem0)
            start_in(r0 + 1, xbuf1, in_sem1)
            tau0 = compute_tau(xbuf0)

            @pl.when(i > 0)
            def _():
                wait_out(obuf0, out_sem0)

            write_row(xbuf0, obuf0, tau0)
            start_out(r0, obuf0, out_sem0)

            wait_in(xbuf1, in_sem1)

            @pl.when(i < _RPW // 2 - 1)
            def _():
                start_in(r0 + 2, xbuf0, in_sem0)

            tau1 = compute_tau(xbuf1)

            @pl.when(i > 0)
            def _():
                wait_out(obuf1, out_sem1)

            write_row(xbuf1, obuf1, tau1)
            start_out(r0 + 1, obuf1, out_sem1)
            return carry

        lax.fori_loop(0, _RPW // 2, pair_body, 0)
        wait_out(obuf0, out_sem0)
        wait_out(obuf1, out_sem1)

    return k(x_flat)


def kernel(inputs, mask):
    del mask
    return _sc_sparsemax(inputs)

# --- scband reference (transcript-rebuilt; emitter-appended) ---
"""Pipeline reference for scband-sparse-max-8091718386028 (READ-ONLY COPY).

The authoritative reference and input builder live on the scoring server;
editing this copy changes nothing except your own understanding.
"""

import jax, jax.numpy as jnp
import numpy as np

SMALL_NUMBER = 1e-7
BIG_NUMBER = 1e10
EPSILON = 0.0

def setup_inputs(seed: int = 0) -> dict:
    key = jax.random.key(seed)
    k1, k2 = jax.random.split(key)
    inputs = jax.random.normal(k1, (64, 32, 8192), dtype=jnp.float32)
    mask = jnp.ones((64, 32, 8192), dtype=jnp.float32)
    return {"inputs": inputs, "mask": mask}

def reference(inputs, mask):
    z = inputs
    dims = z.shape[-1]
    # top_k over last dim == descending sort of full dim
    z_sorted, _ = jax.lax.top_k(z, dims)
    partial_sums = jnp.cumsum(z_sorted, axis=-1)
    k = jnp.arange(1, dims + 1, dtype=z.dtype)
    z_threshold = 1.0 + k * z_sorted > partial_sums
    k_z = jnp.sum(z_threshold.astype(jnp.int32), axis=-1)  # [B, Q]
    # gather partial_sums at index k_z - 1 (relu'd to >= 0)
    gather_idx = jnp.maximum(k_z - 1, 0)
    tau_sum = jnp.take_along_axis(partial_sums, gather_idx[..., None], axis=-1)[..., 0]
    k_z_f = jnp.clip(k_z.astype(z.dtype), SMALL_NUMBER, BIG_NUMBER)
    tau_z = (tau_sum - 1.0) / k_z_f
    tau_z = tau_z[..., None]
    weights = jax.nn.relu(z - tau_z)
    if EPSILON > 0.0:
        weights = mask * jnp.clip(weights, EPSILON, 1.0)
        clipped_norm = jnp.clip(jnp.sum(jnp.abs(weights), axis=-1, keepdims=True), SMALL_NUMBER, BIG_NUMBER)
        weights = weights / clipped_norm
    return weights

if __name__ == "__main__":
    import jax
    _d = setup_inputs()
    print(jax.jit(kernel)(*tuple(_d.values())))

</pallas_src>

<mosaic_0001>
#map = affine_map<(d0, d1) -> (0, 0, 0)>
module attributes {stable_mosaic.version = 14 : i64} {
  func.func @k(%arg0: i32, %arg1: i32, %arg2: memref<64x32x8192xf32, #tpu.memory_space<hbm>>, %arg3: memref<64x32x8192xf32, #tpu.memory_space<hbm>>, %arg4: memref<8192xf32, #tpu.memory_space<vmem>>, %arg5: memref<8192xf32, #tpu.memory_space<vmem>>, %arg6: memref<8192xf32, #tpu.memory_space<vmem>>, %arg7: memref<8192xf32, #tpu.memory_space<vmem>>, %arg8: memref<8192xf32, #tpu.memory_space<vmem>>, %arg9: memref<!tpu.dma_semaphore, #tpu.memory_space<semaphore_mem>>, %arg10: memref<!tpu.dma_semaphore, #tpu.memory_space<semaphore_mem>>, %arg11: memref<!tpu.dma_semaphore, #tpu.memory_space<semaphore_mem>>, %arg12: memref<!tpu.dma_semaphore, #tpu.memory_space<semaphore_mem>>) attributes {dimension_semantics = [#tpu.dimension_semantics<core_parallel>, #tpu.dimension_semantics<subcore_parallel>], iteration_bounds = array<i64: 2, 16>, scalar_prefetch = 0 : i64, scratch_operands = 9 : i64, tpu.core_type = #tpu.core_type<sc_vector_subcore>, window_params = [{transform_indices = #map}, {transform_indices = #map}]} {
    %mul3A = arith.constant 2 : i32
    %mul3A_0 = arith.muli %arg1, %mul3A : i32
    %add3A = arith.addi %mul3A_0, %arg0 : i32
    %mul3A_1 = arith.constant 64 : i32
    %mul3A_2 = arith.muli %add3A, %mul3A_1 : i32
    %broadcast_in_dim3A = arith.constant 0.000000e+00 : f32
    %broadcast_in_dim3A_3 = vector.broadcast %broadcast_in_dim3A : f32 to vector<16xf32>
    %iota3A = tpu.iota {dimensions = array<i32: 0>} : vector<16xi32>
    %mul3A_4 = arith.constant 512 : i32
    %mul3A_5 = vector.broadcast %mul3A_4 : i32 to vector<16xi32>
    %mul3A_6 = arith.muli %iota3A, %mul3A_5 : vector<16xi32>
    %add3A_7 = arith.constant 0 : i32
    %add3A_8 = arith.addi %mul3A_2, %add3A_7 : i32
    %div3A = arith.constant 32 : i32
    %div3A_9 = arith.divsi %add3A_8, %div3A : i32
    %rem3A = arith.constant 32 : i32
    %rem3A_10 = arith.remsi %add3A_8, %rem3A : i32
    %dma_start3A = arith.constant 0 : i32
    %dma_start3A_11 = tpu.memref_slice %arg2[%div3A_9, %rem3A_10, %dma_start3A] : memref<64x32x8192xf32, #tpu.memory_space<hbm>> -> memref<1x1x8192xf32, #tpu.memory_space<hbm>>
    %dma_start3A_12 = tpu.memref_squeeze %dma_start3A_11 : memref<1x1x8192xf32, #tpu.memory_space<hbm>> -> memref<8192xf32, #tpu.memory_space<hbm>>
    %dma_start3A_13 = arith.constant 0 : i32
    %dma_start3A_14 = tpu.memref_slice %arg2[%div3A_9, %rem3A_10, %dma_start3A_13] : memref<64x32x8192xf32, #tpu.memory_space<hbm>> -> memref<1x1x8192xf32, #tpu.memory_space<hbm>>
    %dma_start3A_15 = tpu.memref_squeeze %dma_start3A_14 : memref<1x1x8192xf32, #tpu.memory_space<hbm>> -> memref<8192xf32, #tpu.memory_space<hbm>>
    tpu.enqueue_dma source(%dma_start3A_15 : memref<8192xf32, #tpu.memory_space<hbm>>) target(%arg4 : memref<8192xf32, #tpu.memory_space<vmem>>) target_semaphore(%arg9 : memref<!tpu.dma_semaphore, #tpu.memory_space<semaphore_mem>>)
    %scan3A = arith.constant 0 : i32
    %scan3A_16 = arith.constant 0 : i32
    %scan3A_17 = arith.constant 32 : i32
    %scan3A_18 = arith.addi %scan3A_16, %scan3A_17 : i32
    %scan3A_19 = arith.constant 1 : i32
    scf.for %scan3A_36 = %scan3A_16 to %scan3A_18 step %scan3A_19  : i32 {
      %mul3A_37 = arith.constant 2 : i32
      %mul3A_38 = arith.muli %scan3A_36, %mul3A_37 : i32
      %dma_wait3A_39 = arith.constant 0 : i32
      %dma_wait3A_40 = arith.constant 0 : i32
      %dma_wait3A_41 = arith.constant 0 : i32
      %dma_wait3A_42 = tpu.memref_slice %arg2[%dma_wait3A_39, %dma_wait3A_40, %dma_wait3A_41] : memref<64x32x8192xf32, #tpu.memory_space<hbm>> -> memref<1x1x8192xf32, #tpu.memory_space<hbm>>
      %dma_wait3A_43 = tpu.memref_squeeze %dma_wait3A_42 : memref<1x1x8192xf32, #tpu.memory_space<hbm>> -> memref<8192xf32, #tpu.memory_space<hbm>>
      %dma_wait3A_44 = arith.constant 0 : i32
      %dma_wait3A_45 = tpu.memref_slice %arg2[%dma_wait3A_39, %dma_wait3A_40, %dma_wait3A_44] : memref<64x32x8192xf32, #tpu.memory_space<hbm>> -> memref<1x1x8192xf32, #tpu.memory_space<hbm>>
      %dma_wait3A_46 = tpu.memref_squeeze %dma_wait3A_45 : memref<1x1x8192xf32, #tpu.memory_space<hbm>> -> memref<8192xf32, #tpu.memory_space<hbm>>
      tpu.wait_dma2 semaphore(%arg9 : memref<!tpu.dma_semaphore, #tpu.memory_space<semaphore_mem>>) src(%dma_wait3A_46 : memref<8192xf32, #tpu.memory_space<hbm>>) dst(%arg4 : memref<8192xf32, #tpu.memory_space<vmem>>)
      %add3A_47 = arith.constant 1 : i32
      %add3A_48 = arith.addi %mul3A_38, %add3A_47 : i32
      %add3A_49 = arith.addi %mul3A_2, %add3A_48 : i32
      %div3A_50 = arith.constant 32 : i32
      %div3A_51 = arith.divsi %add3A_49, %div3A_50 : i32
      %rem3A_52 = arith.constant 32 : i32
      %rem3A_53 = arith.remsi %add3A_49, %rem3A_52 : i32
      %dma_start3A_54 = arith.constant 0 : i32
      %dma_start3A_55 = tpu.memref_slice %arg2[%div3A_51, %rem3A_53, %dma_start3A_54] : memref<64x32x8192xf32, #tpu.memory_space<hbm>> -> memref<1x1x8192xf32, #tpu.memory_space<hbm>>
      %dma_start3A_56 = tpu.memref_squeeze %dma_start3A_55 : memref<1x1x8192xf32, #tpu.memory_space<hbm>> -> memref<8192xf32, #tpu.memory_space<hbm>>
      %dma_start3A_57 = arith.constant 0 : i32
      %dma_start3A_58 = tpu.memref_slice %arg2[%div3A_51, %rem3A_53, %dma_start3A_57] : memref<64x32x8192xf32, #tpu.memory_space<hbm>> -> memref<1x1x8192xf32, #tpu.memory_space<hbm>>
      %dma_start3A_59 = tpu.memref_squeeze %dma_start3A_58 : memref<1x1x8192xf32, #tpu.memory_space<hbm>> -> memref<8192xf32, #tpu.memory_space<hbm>>
      tpu.enqueue_dma source(%dma_start3A_59 : memref<8192xf32, #tpu.memory_space<hbm>>) target(%arg5 : memref<8192xf32, #tpu.memory_space<vmem>>) target_semaphore(%arg10 : memref<!tpu.dma_semaphore, #tpu.memory_space<semaphore_mem>>)
      %add3A_60 = arith.constant -1.000000e+30 : f32
      %add3A_61 = vector.broadcast %add3A_60 : f32 to vector<16xf32>
      %add3A_62 = arith.addf %broadcast_in_dim3A_3, %add3A_61 : vector<16xf32>
      %parallel_loop3A = arith.constant 0 : i32
      %parallel_loop3A_63 = arith.constant 8192 : i32
      %parallel_loop3A_64 = arith.constant 64 : i32
      %parallel_loop3A_65:4 = scf.for %parallel_loop3A_228 = %parallel_loop3A to %parallel_loop3A_63 step %parallel_loop3A_64 iter_args(%parallel_loop3A_229 = %add3A_62, %parallel_loop3A_230 = %add3A_62, %parallel_loop3A_231 = %add3A_62, %parallel_loop3A_232 = %add3A_62) -> (vector<16xf32>, vector<16xf32>, vector<16xf32>, vector<16xf32>)  : i32 {
        %parallel_loop3A_233 = arith.index_cast %parallel_loop3A_228 : i32 to index
        %parallel_loop3A_234 = tpu.vector_load %arg4[%parallel_loop3A_233] {strides = array<i32>} : memref<8192xf32, #tpu.memory_space<vmem>>, vector<16xf32>,
        %parallel_loop3A_235 = arith.maximumf %parallel_loop3A_229, %parallel_loop3A_234 : vector<16xf32>
        %parallel_loop3A_236 = arith.constant 16 : i32
        %parallel_loop3A_237 = arith.addi %parallel_loop3A_228, %parallel_loop3A_236 : i32
        %parallel_loop3A_238 = arith.index_cast %parallel_loop3A_237 : i32 to index
        %parallel_loop3A_239 = tpu.vector_load %arg4[%parallel_loop3A_238] {strides = array<i32>} : memref<8192xf32, #tpu.memory_space<vmem>>, vector<16xf32>,
        %parallel_loop3A_240 = arith.maximumf %parallel_loop3A_230, %parallel_loop3A_239 : vector<16xf32>
        %parallel_loop3A_241 = arith.constant 32 : i32
        %parallel_loop3A_242 = arith.addi %parallel_loop3A_228, %parallel_loop3A_241 : i32
        %parallel_loop3A_243 = arith.index_cast %parallel_loop3A_242 : i32 to index
        %parallel_loop3A_244 = tpu.vector_load %arg4[%parallel_loop3A_243] {strides = array<i32>} : memref<8192xf32, #tpu.memory_space<vmem>>, vector<16xf32>,
        %parallel_loop3A_245 = arith.maximumf %parallel_loop3A_231, %parallel_loop3A_244 : vector<16xf32>
        %parallel_loop3A_246 = arith.constant 48 : i32
        %parallel_loop3A_247 = arith.addi %parallel_loop3A_228, %parallel_loop3A_246 : i32
        %parallel_loop3A_248 = arith.index_cast %parallel_loop3A_247 : i32 to index
        %parallel_loop3A_249 = tpu.vector_load %arg4[%parallel_loop3A_248] {strides = array<i32>} : memref<8192xf32, #tpu.memory_space<vmem>>, vector<16xf32>,
        %parallel_loop3A_250 = arith.maximumf %parallel_loop3A_232, %parallel_loop3A_249 : vector<16xf32>
        scf.yield %parallel_loop3A_235, %parallel_loop3A_240, %parallel_loop3A_245, %parallel_loop3A_250 : vector<16xf32>, vector<16xf32>, vector<16xf32>, vector<16xf32>
      } {sc.loop_unroll_factor = 2 : i64, sc.parallel_access}
      %max3A = arith.maximumf %parallel_loop3A_65#0, %parallel_loop3A_65#1 : vector<16xf32>
      %max3A_66 = arith.maximumf %parallel_loop3A_65#2, %parallel_loop3A_65#3 : vector<16xf32>
      %max3A_67 = arith.maximumf %max3A, %max3A_66 : vector<16xf32>
      %reduce_max3A = arith.constant true
      %reduce_max3A_68 = vector.broadcast %reduce_max3A : i1 to vector<16xi1>
      %reduce_max3A_69 = tpu.scan <max>, %max3A_67 masked %reduce_max3A_68 : vector<16xf32>, vector<16xi1> -> vector<16xf32>
      %reduce_max3A_70 = vector.extract %reduce_max3A_69[15] : f32 from vector<16xf32>
      %sub3A = arith.constant 1.000000e+00 : f32
      %sub3A_71 = arith.subf %reduce_max3A_70, %sub3A : f32
      %add3A_72 = vector.broadcast %sub3A_71 : f32 to vector<16xf32>
      %add3A_73 = arith.addf %broadcast_in_dim3A_3, %add3A_72 : vector<16xf32>
      %broadcast_in_dim3A_74 = arith.constant 0 : i32
      %broadcast_in_dim3A_75 = vector.broadcast %broadcast_in_dim3A_74 : i32 to vector<16xi32>
      %parallel_loop3A_76 = arith.constant 0 : i32
      %parallel_loop3A_77 = arith.constant 8192 : i32
      %parallel_loop3A_78 = arith.constant 16 : i32
      %parallel_loop3A_79 = scf.for %parallel_loop3A_228 = %parallel_loop3A_76 to %parallel_loop3A_77 step %parallel_loop3A_78 iter_args(%parallel_loop3A_229 = %broadcast_in_dim3A_75) -> (vector<16xi32>)  : i32 {
        %parallel_loop3A_230 = arith.index_cast %parallel_loop3A_228 : i32 to index
        %parallel_loop3A_231 = tpu.vector_load %arg4[%parallel_loop3A_230] {strides = array<i32>} : memref<8192xf32, #tpu.memory_space<vmem>>, vector<16xf32>,
        %parallel_loop3A_232 = arith.cmpf ogt, %parallel_loop3A_231, %add3A_73 : vector<16xf32>
        %parallel_loop3A_233 = arith.addi %mul3A_6, %parallel_loop3A_229 : vector<16xi32>
        tpu.vector_store_idx %arg8[%parallel_loop3A_233], %parallel_loop3A_231 masked %parallel_loop3A_232 : memref<8192xf32, #tpu.memory_space<vmem>>[vector<16xi32>], vector<16xf32>, vector<16xi1>
        %parallel_loop3A_234 = arith.extui %parallel_loop3A_232 : vector<16xi1> to vector<16xi32>
        %parallel_loop3A_235 = arith.addi %parallel_loop3A_229, %parallel_loop3A_234 : vector<16xi32>
        scf.yield %parallel_loop3A_235 : vector<16xi32>
      } {sc.loop_unroll_factor = 8 : i64, sc.parallel_access}
      %reduce_max3A_80 = arith.constant true
      %reduce_max3A_81 = vector.broadcast %reduce_max3A_80 : i1 to vector<16xi1>
      %reduce_max3A_82 = arith.constant -2147483648 : i32
      %reduce_max3A_83 = vector.broadcast %reduce_max3A_82 : i32 to vector<16xi32>
      %reduce_max3A_84 = arith.xori %parallel_loop3A_79, %reduce_max3A_83 : vector<16xi32>
      %reduce_max3A_85 = tpu.scan <max>, %reduce_max3A_84 masked %reduce_max3A_81 : vector<16xi32>, vector<16xi1> -> vector<16xi32>
      %reduce_max3A_86 = arith.xori %reduce_max3A_85, %reduce_max3A_83 : vector<16xi32>
      %reduce_max3A_87 = vector.extract %reduce_max3A_86[15] : i32 from vector<16xi32>
      %max3A_88 = arith.constant 1 : i32
      %max3A_89 = arith.maxsi %reduce_max3A_87, %max3A_88 : i32
      %parallel_loop3A_90 = arith.constant 0 : i32
      %parallel_loop3A_91 = arith.constant 1 : i32
      %parallel_loop3A_92:2 = scf.for %parallel_loop3A_228 = %parallel_loop3A_90 to %max3A_89 step %parallel_loop3A_91 iter_args(%parallel_loop3A_229 = %broadcast_in_dim3A_3, %parallel_loop3A_230 = %broadcast_in_dim3A_3) -> (vector<16xf32>, vector<16xf32>)  : i32 {
        %parallel_loop3A_231 = vector.broadcast %parallel_loop3A_228 : i32 to vector<16xi32>
        %parallel_loop3A_232 = arith.addi %mul3A_6, %parallel_loop3A_231 : vector<16xi32>
        %parallel_loop3A_233 = tpu.vector_load_idx %arg8[%parallel_loop3A_232] : memref<8192xf32, #tpu.memory_space<vmem>>[vector<16xi32>], vector<16xf32>,
        %parallel_loop3A_234 = vector.broadcast %parallel_loop3A_228 : i32 to vector<16xi32>
        %parallel_loop3A_235 = arith.cmpi sgt, %parallel_loop3A_79, %parallel_loop3A_234 : vector<16xi32>
        %parallel_loop3A_236 = arith.constant -1.000000e+30 : f32
        %parallel_loop3A_237 = vector.broadcast %parallel_loop3A_236 : f32 to vector<16xf32>
        %parallel_loop3A_238 = arith.select %parallel_loop3A_235, %parallel_loop3A_233, %parallel_loop3A_237 : vector<16xi1>, vector<16xf32>
        %parallel_loop3A_239 = arith.subf %parallel_loop3A_238, %add3A_73 : vector<16xf32>
        %parallel_loop3A_240 = arith.constant 0.000000e+00 : f32
        %parallel_loop3A_241 = vector.broadcast %parallel_loop3A_240 : f32 to vector<16xf32>
        %parallel_loop3A_242 = arith.maximumf %parallel_loop3A_239, %parallel_loop3A_241 : vector<16xf32>
        %parallel_loop3A_243 = arith.addf %parallel_loop3A_229, %parallel_loop3A_242 : vector<16xf32>
        %parallel_loop3A_244 = arith.constant 0.000000e+00 : f32
        %parallel_loop3A_245 = vector.broadcast %parallel_loop3A_244 : f32 to vector<16xf32>
        %parallel_loop3A_246 = arith.cmpf ogt, %parallel_loop3A_239, %parallel_loop3A_245 : vector<16xf32>
        %parallel_loop3A_247 = arith.constant 1.000000e+00 : f32
        %parallel_loop3A_248 = arith.constant 0.000000e+00 : f32
        %parallel_loop3A_249 = vector.broadcast %parallel_loop3A_247 : f32 to vector<16xf32>
        %parallel_loop3A_250 = vector.broadcast %parallel_loop3A_248 : f32 to vector<16xf32>
        %parallel_loop3A_251 = arith.select %parallel_loop3A_246, %parallel_loop3A_249, %parallel_loop3A_250 : vector<16xi1>, vector<16xf32>
        %parallel_loop3A_252 = arith.addf %parallel_loop3A_230, %parallel_loop3A_251 : vector<16xf32>
        scf.yield %parallel_loop3A_243, %parallel_loop3A_252 : vector<16xf32>, vector<16xf32>
      } {sc.loop_unroll_factor = 2 : i64, sc.parallel_access}
      %reduce_sum3A = arith.constant true
      %reduce_sum3A_93 = vector.broadcast %reduce_sum3A : i1 to vector<16xi1>
      %reduce_sum3A_94 = tpu.scan <sum>, %parallel_loop3A_92#0 masked %reduce_sum3A_93 : vector<16xf32>, vector<16xi1> -> vector<16xf32>
      %reduce_sum3A_95 = vector.extract %reduce_sum3A_94[15] : f32 from vector<16xf32>
      %add3A_96 = vector.broadcast %reduce_sum3A_95 : f32 to vector<16xf32>
      %add3A_97 = arith.addf %broadcast_in_dim3A_3, %add3A_96 : vector<16xf32>
      %reduce_sum3A_98 = arith.constant true
      %reduce_sum3A_99 = vector.broadcast %reduce_sum3A_98 : i1 to vector<16xi1>
      %reduce_sum3A_100 = tpu.scan <sum>, %parallel_loop3A_92#1 masked %reduce_sum3A_99 : vector<16xf32>, vector<16xi1> -> vector<16xf32>
      %reduce_sum3A_101 = vector.extract %reduce_sum3A_100[15] : f32 from vector<16xf32>
      %add3A_102 = vector.broadcast %reduce_sum3A_101 : f32 to vector<16xf32>
      %add3A_103 = arith.addf %broadcast_in_dim3A_3, %add3A_102 : vector<16xf32>
      %max3A_104 = arith.constant 1.000000e+00 : f32
      %max3A_105 = vector.broadcast %max3A_104 : f32 to vector<16xf32>
      %max3A_106 = arith.maximumf %add3A_103, %max3A_105 : vector<16xf32>
      %add3A_107 = vector.broadcast %reduce_max3A_70 : f32 to vector<16xf32>
      %add3A_108 = arith.addf %broadcast_in_dim3A_3, %add3A_107 : vector<16xf32>
      %while3A = arith.constant 0 : i32
      %while3A_109:5 = scf.while (%while3A_228 = %while3A, %while3A_229 = %add3A_73, %while3A_230 = %add3A_108, %while3A_231 = %add3A_97, %while3A_232 = %max3A_106) : (i32, vector<16xf32>, vector<16xf32>, vector<16xf32>, vector<16xf32>) -> (i32, vector<16xf32>, vector<16xf32>, vector<16xf32>, vector<16xf32>) {
        %lt3A_233 = arith.constant 20 : i32
        %lt3A_234 = arith.cmpi slt, %while3A_228, %lt3A_233 : i32
        %slice3A = vector.extract_strided_slice %while3A_230 {offsets = [0], sizes = [1], strides = [1]} : vector<16xf32> to vector<1xf32>
        %squeeze3A = vector.extract %slice3A[0] : f32 from vector<1xf32>
        %slice3A_235 = vector.extract_strided_slice %while3A_229 {offsets = [0], sizes = [1], strides = [1]} : vector<16xf32> to vector<1xf32>
        %squeeze3A_236 = vector.extract %slice3A_235[0] : f32 from vector<1xf32>
        %sub3A_237 = arith.subf %squeeze3A, %squeeze3A_236 : f32
        %gt3A_238 = arith.constant 9.99999974E-6 : f32
        %gt3A_239 = arith.cmpf ogt, %sub3A_237, %gt3A_238 : f32
        %and3A = arith.andi %lt3A_234, %gt3A_239 : i1
        scf.condition(%and3A) %while3A_228, %while3A_229, %while3A_230, %while3A_231, %while3A_232 : i32, vector<16xf32>, vector<16xf32>, vector<16xf32>, vector<16xf32>
      } do {
      ^bb0(%while3A_228: i32, %while3A_229: vector<16xf32>, %while3A_230: vector<16xf32>, %while3A_231: vector<16xf32>, %while3A_232: vector<16xf32>):
        %sub3A_233 = arith.constant 1.000000e+00 : f32
        %sub3A_234 = vector.broadcast %sub3A_233 : f32 to vector<16xf32>
        %sub3A_235 = arith.subf %while3A_231, %sub3A_234 : vector<16xf32>
        %div3A_236 = arith.divf %sub3A_235, %while3A_232 : vector<16xf32>
        %add3A_237 = arith.addf %while3A_229, %div3A_236 : vector<16xf32>
        %add3A_238 = arith.addf %while3A_229, %while3A_230 : vector<16xf32>
        %mul3A_239 = arith.constant 5.000000e-01 : f32
        %mul3A_240 = vector.broadcast %mul3A_239 : f32 to vector<16xf32>
        %mul3A_241 = arith.mulf %mul3A_240, %add3A_238 : vector<16xf32>
        %max3A_242 = arith.maximumf %add3A_237, %mul3A_241 : vector<16xf32>
        %max3A_243 = arith.maximumf %while3A_229, %max3A_242 : vector<16xf32>
        %min3A_244 = arith.minimumf %while3A_230, %max3A_243 : vector<16xf32>
        %parallel_loop3A_245 = arith.constant 0 : i32
        %parallel_loop3A_246 = arith.constant 1 : i32
        %parallel_loop3A_247:2 = scf.for %parallel_loop3A_268 = %parallel_loop3A_245 to %max3A_89 step %parallel_loop3A_246 iter_args(%parallel_loop3A_269 = %broadcast_in_dim3A_3, %parallel_loop3A_270 = %broadcast_in_dim3A_3) -> (vector<16xf32>, vector<16xf32>)  : i32 {
          %parallel_loop3A_271 = vector.broadcast %parallel_loop3A_268 : i32 to vector<16xi32>
          %parallel_loop3A_272 = arith.addi %mul3A_6, %parallel_loop3A_271 : vector<16xi32>
          %parallel_loop3A_273 = tpu.vector_load_idx %arg8[%parallel_loop3A_272] : memref<8192xf32, #tpu.memory_space<vmem>>[vector<16xi32>], vector<16xf32>,
          %parallel_loop3A_274 = vector.broadcast %parallel_loop3A_268 : i32 to vector<16xi32>
          %parallel_loop3A_275 = arith.cmpi sgt, %parallel_loop3A_79, %parallel_loop3A_274 : vector<16xi32>
          %parallel_loop3A_276 = arith.constant -1.000000e+30 : f32
          %parallel_loop3A_277 = vector.broadcast %parallel_loop3A_276 : f32 to vector<16xf32>
          %parallel_loop3A_278 = arith.select %parallel_loop3A_275, %parallel_loop3A_273, %parallel_loop3A_277 : vector<16xi1>, vector<16xf32>
          %parallel_loop3A_279 = arith.subf %parallel_loop3A_278, %min3A_244 : vector<16xf32>
          %parallel_loop3A_280 = arith.constant 0.000000e+00 : f32
          %parallel_loop3A_281 = vector.broadcast %parallel_loop3A_280 : f32 to vector<16xf32>
          %parallel_loop3A_282 = arith.maximumf %parallel_loop3A_279, %parallel_loop3A_281 : vector<16xf32>
          %parallel_loop3A_283 = arith.addf %parallel_loop3A_269, %parallel_loop3A_282 : vector<16xf32>
          %parallel_loop3A_284 = arith.constant 0.000000e+00 : f32
          %parallel_loop3A_285 = vector.broadcast %parallel_loop3A_284 : f32 to vector<16xf32>
          %parallel_loop3A_286 = arith.cmpf ogt, %parallel_loop3A_279, %parallel_loop3A_285 : vector<16xf32>
          %parallel_loop3A_287 = arith.constant 1.000000e+00 : f32
          %parallel_loop3A_288 = arith.constant 0.000000e+00 : f32
          %parallel_loop3A_289 = vector.broadcast %parallel_loop3A_287 : f32 to vector<16xf32>
          %parallel_loop3A_290 = vector.broadcast %parallel_loop3A_288 : f32 to vector<16xf32>
          %parallel_loop3A_291 = arith.select %parallel_loop3A_286, %parallel_loop3A_289, %parallel_loop3A_290 : vector<16xi1>, vector<16xf32>
          %parallel_loop3A_292 = arith.addf %parallel_loop3A_270, %parallel_loop3A_291 : vector<16xf32>
          scf.yield %parallel_loop3A_283, %parallel_loop3A_292 : vector<16xf32>, vector<16xf32>
        } {sc.loop_unroll_factor = 2 : i64, sc.parallel_access}
        %reduce_sum3A_248 = arith.constant true
        %reduce_sum3A_249 = vector.broadcast %reduce_sum3A_248 : i1 to vector<16xi1>
        %reduce_sum3A_250 = tpu.scan <sum>, %parallel_loop3A_247#0 masked %reduce_sum3A_249 : vector<16xf32>, vector<16xi1> -> vector<16xf32>
        %reduce_sum3A_251 = vector.extract %reduce_sum3A_250[15] : f32 from vector<16xf32>
        %add3A_252 = vector.broadcast %reduce_sum3A_251 : f32 to vector<16xf32>
        %add3A_253 = arith.addf %broadcast_in_dim3A_3, %add3A_252 : vector<16xf32>
        %reduce_sum3A_254 = arith.constant true
        %reduce_sum3A_255 = vector.broadcast %reduce_sum3A_254 : i1 to vector<16xi1>
        %reduce_sum3A_256 = tpu.scan <sum>, %parallel_loop3A_247#1 masked %reduce_sum3A_255 : vector<16xf32>, vector<16xi1> -> vector<16xf32>
        %reduce_sum3A_257 = vector.extract %reduce_sum3A_256[15] : f32 from vector<16xf32>
        %add3A_258 = vector.broadcast %reduce_sum3A_257 : f32 to vector<16xf32>
        %add3A_259 = arith.addf %broadcast_in_dim3A_3, %add3A_258 : vector<16xf32>
        %gt3A_260 = arith.constant 1.000000e+00 : f32
        %gt3A_261 = vector.broadcast %gt3A_260 : f32 to vector<16xf32>
        %gt3A_262 = arith.cmpf ogt, %add3A_253, %gt3A_261 : vector<16xf32>
        %add3A_263 = arith.constant 1 : i32
        %add3A_264 = arith.addi %while3A_228, %add3A_263 : i32
        %select_n3A = arith.select %gt3A_262, %min3A_244, %while3A_229 : vector<16xi1>, vector<16xf32>
        %select_n3A_265 = arith.select %gt3A_262, %while3A_230, %min3A_244 : vector<16xi1>, vector<16xf32>
        %select_n3A_266 = arith.select %gt3A_262, %add3A_253, %while3A_231 : vector<16xi1>, vector<16xf32>
        %select_n3A_267 = arith.select %gt3A_262, %add3A_259, %while3A_232 : vector<16xi1>, vector<16xf32>
        scf.yield %add3A_264, %select_n3A, %select_n3A_265, %select_n3A_266, %select_n3A_267 : i32, vector<16xf32>, vector<16xf32>, vector<16xf32>, vector<16xf32>
      }
      %sub3A_110 = arith.constant 1.000000e+00 : f32
      %sub3A_111 = vector.broadcast %sub3A_110 : f32 to vector<16xf32>
      %sub3A_112 = arith.subf %while3A_109#3, %sub3A_111 : vector<16xf32>
      %div3A_113 = arith.divf %sub3A_112, %while3A_109#4 : vector<16xf32>
      %add3A_114 = arith.addf %while3A_109#1, %div3A_113 : vector<16xf32>
      %max3A_115 = arith.maximumf %while3A_109#1, %add3A_114 : vector<16xf32>
      %min3A = arith.minimumf %while3A_109#2, %max3A_115 : vector<16xf32>
      %gt3A = arith.constant 0 : i32
      %gt3A_116 = arith.cmpi sgt, %scan3A_36, %gt3A : i32
      %convert_element_type3A = arith.extui %gt3A_116 : i1 to i32
      %cond3A = arith.constant 0 : i32
      %cond3A_117 = arith.cmpi ne, %convert_element_type3A, %cond3A : i32
      scf.if %cond3A_117 {
        %dma_wait3A_228 = arith.constant 0 : i32
        %dma_wait3A_229 = arith.constant 0 : i32
        %dma_wait3A_230 = arith.constant 0 : i32
        %dma_wait3A_231 = tpu.memref_slice %arg3[%dma_wait3A_228, %dma_wait3A_229, %dma_wait3A_230] : memref<64x32x8192xf32, #tpu.memory_space<hbm>> -> memref<1x1x8192xf32, #tpu.memory_space<hbm>>
        %dma_wait3A_232 = tpu.memref_squeeze %dma_wait3A_231 : memref<1x1x8192xf32, #tpu.memory_space<hbm>> -> memref<8192xf32, #tpu.memory_space<hbm>>
        %dma_wait3A_233 = arith.constant 0 : i32
        %dma_wait3A_234 = tpu.memref_slice %arg3[%dma_wait3A_228, %dma_wait3A_229, %dma_wait3A_233] : memref<64x32x8192xf32, #tpu.memory_space<hbm>> -> memref<1x1x8192xf32, #tpu.memory_space<hbm>>
        %dma_wait3A_235 = tpu.memref_squeeze %dma_wait3A_234 : memref<1x1x8192xf32, #tpu.memory_space<hbm>> -> memref<8192xf32, #tpu.memory_space<hbm>>
        tpu.wait_dma2 semaphore(%arg11 : memref<!tpu.dma_semaphore, #tpu.memory_space<semaphore_mem>>) src(%arg6 : memref<8192xf32, #tpu.memory_space<vmem>>) dst(%dma_wait3A_235 : memref<8192xf32, #tpu.memory_space<hbm>>)
      } else {
      }
      %parallel_loop3A_118 = arith.constant 0 : i32
      %parallel_loop3A_119 = arith.constant 8192 : i32
      %parallel_loop3A_120 = arith.constant 16 : i32
      scf.for %parallel_loop3A_228 = %parallel_loop3A_118 to %parallel_loop3A_119 step %parallel_loop3A_120  : i32 {
        %parallel_loop3A_229 = arith.index_cast %parallel_loop3A_228 : i32 to index
        %parallel_loop3A_230 = tpu.vector_load %arg4[%parallel_loop3A_229] {strides = array<i32>} : memref<8192xf32, #tpu.memory_space<vmem>>, vector<16xf32>,
        %parallel_loop3A_231 = arith.subf %parallel_loop3A_230, %min3A : vector<16xf32>
        %parallel_loop3A_232 = arith.constant 0.000000e+00 : f32
        %parallel_loop3A_233 = vector.broadcast %parallel_loop3A_232 : f32 to vector<16xf32>
        %parallel_loop3A_234 = arith.maximumf %parallel_loop3A_231, %parallel_loop3A_233 : vector<16xf32>
        %parallel_loop3A_235 = arith.index_cast %parallel_loop3A_228 : i32 to index
        %parallel_loop3A_236 = tpu.vector_load %arg6[%parallel_loop3A_235] {strides = array<i32>} : memref<8192xf32, #tpu.memory_space<vmem>>, vector<16xf32>,
        tpu.vector_store %arg6[%parallel_loop3A_235], %parallel_loop3A_234 {strides = array<i32>} : memref<8192xf32, #tpu.memory_space<vmem>>, vector<16xf32>,
      } {sc.loop_unroll_factor = 8 : i64, sc.parallel_access}
      %add3A_121 = arith.addi %mul3A_2, %mul3A_38 : i32
      %div3A_122 = arith.constant 32 : i32
      %div3A_123 = arith.divsi %add3A_121, %div3A_122 : i32
      %rem3A_124 = arith.constant 32 : i32
      %rem3A_125 = arith.remsi %add3A_121, %rem3A_124 : i32
      %dma_start3A_126 = arith.constant 0 : i32
      %dma_start3A_127 = tpu.memref_slice %arg3[%div3A_123, %rem3A_125, %dma_start3A_126] : memref<64x32x8192xf32, #tpu.memory_space<hbm>> -> memref<1x1x8192xf32, #tpu.memory_space<hbm>>
      %dma_start3A_128 = tpu.memref_squeeze %dma_start3A_127 : memref<1x1x8192xf32, #tpu.memory_space<hbm>> -> memref<8192xf32, #tpu.memory_space<hbm>>
      %dma_start3A_129 = arith.constant 0 : i32
      %dma_start3A_130 = tpu.memref_slice %arg3[%div3A_123, %rem3A_125, %dma_start3A_129] : memref<64x32x8192xf32, #tpu.memory_space<hbm>> -> memref<1x1x8192xf32, #tpu.memory_space<hbm>>
      %dma_start3A_131 = tpu.memref_squeeze %dma_start3A_130 : memref<1x1x8192xf32, #tpu.memory_space<hbm>> -> memref<8192xf32, #tpu.memory_space<hbm>>
      tpu.enqueue_dma source(%arg6 : memref<8192xf32, #tpu.memory_space<vmem>>) target(%dma_start3A_131 : memref<8192xf32, #tpu.memory_space<hbm>>) target_semaphore(%arg11 : memref<!tpu.dma_semaphore, #tpu.memory_space<semaphore_mem>>)
      %dma_wait3A_132 = arith.constant 0 : i32
      %dma_wait3A_133 = arith.constant 0 : i32
      %dma_wait3A_134 = arith.constant 0 : i32
      %dma_wait3A_135 = tpu.memref_slice %arg2[%dma_wait3A_132, %dma_wait3A_133, %dma_wait3A_134] : memref<64x32x8192xf32, #tpu.memory_space<hbm>> -> memref<1x1x8192xf32, #tpu.memory_space<hbm>>
      %dma_wait3A_136 = tpu.memref_squeeze %dma_wait3A_135 : memref<1x1x8192xf32, #tpu.memory_space<hbm>> -> memref<8192xf32, #tpu.memory_space<hbm>>
      %dma_wait3A_137 = arith.constant 0 : i32
      %dma_wait3A_138 = tpu.memref_slice %arg2[%dma_wait3A_132, %dma_wait3A_133, %dma_wait3A_137] : memref<64x32x8192xf32, #tpu.memory_space<hbm>> -> memref<1x1x8192xf32, #tpu.memory_space<hbm>>
      %dma_wait3A_139 = tpu.memref_squeeze %dma_wait3A_138 : memref<1x1x8192xf32, #tpu.memory_space<hbm>> -> memref<8192xf32, #tpu.memory_space<hbm>>
      tpu.wait_dma2 semaphore(%arg10 : memref<!tpu.dma_semaphore, #tpu.memory_space<semaphore_mem>>) src(%dma_wait3A_139 : memref<8192xf32, #tpu.memory_space<hbm>>) dst(%arg5 : memref<8192xf32, #tpu.memory_space<vmem>>)
      %lt3A = arith.constant 31 : i32
      %lt3A_140 = arith.cmpi slt, %scan3A_36, %lt3A : i32
      %convert_element_type3A_141 = arith.extui %lt3A_140 : i1 to i32
      %cond3A_142 = arith.constant 0 : i32
      %cond3A_143 = arith.cmpi ne, %convert_element_type3A_141, %cond3A_142 : i32
      scf.if %cond3A_143 {
        %add3A_228 = arith.constant 2 : i32
        %add3A_229 = arith.addi %mul3A_38, %add3A_228 : i32
        %add3A_230 = arith.addi %mul3A_2, %add3A_229 : i32
        %div3A_231 = arith.constant 32 : i32
        %div3A_232 = arith.divsi %add3A_230, %div3A_231 : i32
        %rem3A_233 = arith.constant 32 : i32
        %rem3A_234 = arith.remsi %add3A_230, %rem3A_233 : i32
        %dma_start3A_235 = arith.constant 0 : i32
        %dma_start3A_236 = tpu.memref_slice %arg2[%div3A_232, %rem3A_234, %dma_start3A_235] : memref<64x32x8192xf32, #tpu.memory_space<hbm>> -> memref<1x1x8192xf32, #tpu.memory_space<hbm>>
        %dma_start3A_237 = tpu.memref_squeeze %dma_start3A_236 : memref<1x1x8192xf32, #tpu.memory_space<hbm>> -> memref<8192xf32, #tpu.memory_space<hbm>>
        %dma_start3A_238 = arith.constant 0 : i32
        %dma_start3A_239 = tpu.memref_slice %arg2[%div3A_232, %rem3A_234, %dma_start3A_238] : memref<64x32x8192xf32, #tpu.memory_space<hbm>> -> memref<1x1x8192xf32, #tpu.memory_space<hbm>>
        %dma_start3A_240 = tpu.memref_squeeze %dma_start3A_239 : memref<1x1x8192xf32, #tpu.memory_space<hbm>> -> memref<8192xf32, #tpu.memory_space<hbm>>
        tpu.enqueue_dma source(%dma_start3A_240 : memref<8192xf32, #tpu.memory_space<hbm>>) target(%arg4 : memref<8192xf32, #tpu.memory_space<vmem>>) target_semaphore(%arg9 : memref<!tpu.dma_semaphore, #tpu.memory_space<semaphore_mem>>)
      } else {
      }
      %add3A_144 = arith.constant -1.000000e+30 : f32
      %add3A_145 = vector.broadcast %add3A_144 : f32 to vector<16xf32>
      %add3A_146 = arith.addf %broadcast_in_dim3A_3, %add3A_145 : vector<16xf32>
      %parallel_loop3A_147 = arith.constant 0 : i32
      %parallel_loop3A_148 = arith.constant 8192 : i32
      %parallel_loop3A_149 = arith.constant 64 : i32
      %parallel_loop3A_150:4 = scf.for %parallel_loop3A_228 = %parallel_loop3A_147 to %parallel_loop3A_148 step %parallel_loop3A_149 iter_args(%parallel_loop3A_229 = %add3A_146, %parallel_loop3A_230 = %add3A_146, %parallel_loop3A_231 = %add3A_146, %parallel_loop3A_232 = %add3A_146) -> (vector<16xf32>, vector<16xf32>, vector<16xf32>, vector<16xf32>)  : i32 {
        %parallel_loop3A_233 = arith.index_cast %parallel_loop3A_228 : i32 to index
        %parallel_loop3A_234 = tpu.vector_load %arg5[%parallel_loop3A_233] {strides = array<i32>} : memref<8192xf32, #tpu.memory_space<vmem>>, vector<16xf32>,
        %parallel_loop3A_235 = arith.maximumf %parallel_loop3A_229, %parallel_loop3A_234 : vector<16xf32>
        %parallel_loop3A_236 = arith.constant 16 : i32
        %parallel_loop3A_237 = arith.addi %parallel_loop3A_228, %parallel_loop3A_236 : i32
        %parallel_loop3A_238 = arith.index_cast %parallel_loop3A_237 : i32 to index
        %parallel_loop3A_239 = tpu.vector_load %arg5[%parallel_loop3A_238] {strides = array<i32>} : memref<8192xf32, #tpu.memory_space<vmem>>, vector<16xf32>,
        %parallel_loop3A_240 = arith.maximumf %parallel_loop3A_230, %parallel_loop3A_239 : vector<16xf32>
        %parallel_loop3A_241 = arith.constant 32 : i32
        %parallel_loop3A_242 = arith.addi %parallel_loop3A_228, %parallel_loop3A_241 : i32
        %parallel_loop3A_243 = arith.index_cast %parallel_loop3A_242 : i32 to index
        %parallel_loop3A_244 = tpu.vector_load %arg5[%parallel_loop3A_243] {strides = array<i32>} : memref<8192xf32, #tpu.memory_space<vmem>>, vector<16xf32>,
        %parallel_loop3A_245 = arith.maximumf %parallel_loop3A_231, %parallel_loop3A_244 : vector<16xf32>
        %parallel_loop3A_246 = arith.constant 48 : i32
        %parallel_loop3A_247 = arith.addi %parallel_loop3A_228, %parallel_loop3A_246 : i32
        %parallel_loop3A_248 = arith.index_cast %parallel_loop3A_247 : i32 to index
        %parallel_loop3A_249 = tpu.vector_load %arg5[%parallel_loop3A_248] {strides = array<i32>} : memref<8192xf32, #tpu.memory_space<vmem>>, vector<16xf32>,
        %parallel_loop3A_250 = arith.maximumf %parallel_loop3A_232, %parallel_loop3A_249 : vector<16xf32>
        scf.yield %parallel_loop3A_235, %parallel_loop3A_240, %parallel_loop3A_245, %parallel_loop3A_250 : vector<16xf32>, vector<16xf32>, vector<16xf32>, vector<16xf32>
      } {sc.loop_unroll_factor = 2 : i64, sc.parallel_access}
      %max3A_151 = arith.maximumf %parallel_loop3A_150#0, %parallel_loop3A_150#1 : vector<16xf32>
      %max3A_152 = arith.maximumf %parallel_loop3A_150#2, %parallel_loop3A_150#3 : vector<16xf32>
      %max3A_153 = arith.maximumf %max3A_151, %max3A_152 : vector<16xf32>
      %reduce_max3A_154 = arith.constant true
      %reduce_max3A_155 = vector.broadcast %reduce_max3A_154 : i1 to vector<16xi1>
      %reduce_max3A_156 = tpu.scan <max>, %max3A_153 masked %reduce_max3A_155 : vector<16xf32>, vector<16xi1> -> vector<16xf32>
      %reduce_max3A_157 = vector.extract %reduce_max3A_156[15] : f32 from vector<16xf32>
      %sub3A_158 = arith.constant 1.000000e+00 : f32
      %sub3A_159 = arith.subf %reduce_max3A_157, %sub3A_158 : f32
      %add3A_160 = vector.broadcast %sub3A_159 : f32 to vector<16xf32>
      %add3A_161 = arith.addf %broadcast_in_dim3A_3, %add3A_160 : vector<16xf32>
      %broadcast_in_dim3A_162 = arith.constant 0 : i32
      %broadcast_in_dim3A_163 = vector.broadcast %broadcast_in_dim3A_162 : i32 to vector<16xi32>
      %parallel_loop3A_164 = arith.constant 0 : i32
      %parallel_loop3A_165 = arith.constant 8192 : i32
      %parallel_loop3A_166 = arith.constant 16 : i32
      %parallel_loop3A_167 = scf.for %parallel_loop3A_228 = %parallel_loop3A_164 to %parallel_loop3A_165 step %parallel_loop3A_166 iter_args(%parallel_loop3A_229 = %broadcast_in_dim3A_163) -> (vector<16xi32>)  : i32 {
        %parallel_loop3A_230 = arith.index_cast %parallel_loop3A_228 : i32 to index
        %parallel_loop3A_231 = tpu.vector_load %arg5[%parallel_loop3A_230] {strides = array<i32>} : memref<8192xf32, #tpu.memory_space<vmem>>, vector<16xf32>,
        %parallel_loop3A_232 = arith.cmpf ogt, %parallel_loop3A_231, %add3A_161 : vector<16xf32>
        %parallel_loop3A_233 = arith.addi %mul3A_6, %parallel_loop3A_229 : vector<16xi32>
        tpu.vector_store_idx %arg8[%parallel_loop3A_233], %parallel_loop3A_231 masked %parallel_loop3A_232 : memref<8192xf32, #tpu.memory_space<vmem>>[vector<16xi32>], vector<16xf32>, vector<16xi1>
        %parallel_loop3A_234 = arith.extui %parallel_loop3A_232 : vector<16xi1> to vector<16xi32>
        %parallel_loop3A_235 = arith.addi %parallel_loop3A_229, %parallel_loop3A_234 : vector<16xi32>
        scf.yield %parallel_loop3A_235 : vector<16xi32>
      } {sc.loop_unroll_factor = 8 : i64, sc.parallel_access}
      %reduce_max3A_168 = arith.constant true
      %reduce_max3A_169 = vector.broadcast %reduce_max3A_168 : i1 to vector<16xi1>
      %reduce_max3A_170 = arith.constant -2147483648 : i32
      %reduce_max3A_171 = vector.broadcast %reduce_max3A_170 : i32 to vector<16xi32>
      %reduce_max3A_172 = arith.xori %parallel_loop3A_167, %reduce_max3A_171 : vector<16xi32>
      %reduce_max3A_173 = tpu.scan <max>, %reduce_max3A_172 masked %reduce_max3A_169 : vector<16xi32>, vector<16xi1> -> vector<16xi32>
      %reduce_max3A_174 = arith.xori %reduce_max3A_173, %reduce_max3A_171 : vector<16xi32>
      %reduce_max3A_175 = vector.extract %reduce_max3A_174[15] : i32 from vector<16xi32>
      %max3A_176 = arith.constant 1 : i32
      %max3A_177 = arith.maxsi %reduce_max3A_175, %max3A_176 : i32
      %parallel_loop3A_178 = arith.constant 0 : i32
      %parallel_loop3A_179 = arith.constant 1 : i32
      %parallel_loop3A_180:2 = scf.for %parallel_loop3A_228 = %parallel_loop3A_178 to %max3A_177 step %parallel_loop3A_179 iter_args(%parallel_loop3A_229 = %broadcast_in_dim3A_3, %parallel_loop3A_230 = %broadcast_in_dim3A_3) -> (vector<16xf32>, vector<16xf32>)  : i32 {
        %parallel_loop3A_231 = vector.broadcast %parallel_loop3A_228 : i32 to vector<16xi32>
        %parallel_loop3A_232 = arith.addi %mul3A_6, %parallel_loop3A_231 : vector<16xi32>
        %parallel_loop3A_233 = tpu.vector_load_idx %arg8[%parallel_loop3A_232] : memref<8192xf32, #tpu.memory_space<vmem>>[vector<16xi32>], vector<16xf32>,
        %parallel_loop3A_234 = vector.broadcast %parallel_loop3A_228 : i32 to vector<16xi32>
        %parallel_loop3A_235 = arith.cmpi sgt, %parallel_loop3A_167, %parallel_loop3A_234 : vector<16xi32>
        %parallel_loop3A_236 = arith.constant -1.000000e+30 : f32
        %parallel_loop3A_237 = vector.broadcast %parallel_loop3A_236 : f32 to vector<16xf32>
        %parallel_loop3A_238 = arith.select %parallel_loop3A_235, %parallel_loop3A_233, %parallel_loop3A_237 : vector<16xi1>, vector<16xf32>
        %parallel_loop3A_239 = arith.subf %parallel_loop3A_238, %add3A_161 : vector<16xf32>
        %parallel_loop3A_240 = arith.constant 0.000000e+00 : f32
        %parallel_loop3A_241 = vector.broadcast %parallel_loop3A_240 : f32 to vector<16xf32>
        %parallel_loop3A_242 = arith.maximumf %parallel_loop3A_239, %parallel_loop3A_241 : vector<16xf32>
        %parallel_loop3A_243 = arith.addf %parallel_loop3A_229, %parallel_loop3A_242 : vector<16xf32>
        %parallel_loop3A_244 = arith.constant 0.000000e+00 : f32
        %parallel_loop3A_245 = vector.broadcast %parallel_loop3A_244 : f32 to vector<16xf32>
        %parallel_loop3A_246 = arith.cmpf ogt, %parallel_loop3A_239, %parallel_loop3A_245 : vector<16xf32>
        %parallel_loop3A_247 = arith.constant 1.000000e+00 : f32
        %parallel_loop3A_248 = arith.constant 0.000000e+00 : f32
        %parallel_loop3A_249 = vector.broadcast %parallel_loop3A_247 : f32 to vector<16xf32>
        %parallel_loop3A_250 = vector.broadcast %parallel_loop3A_248 : f32 to vector<16xf32>
        %parallel_loop3A_251 = arith.select %parallel_loop3A_246, %parallel_loop3A_249, %parallel_loop3A_250 : vector<16xi1>, vector<16xf32>
        %parallel_loop3A_252 = arith.addf %parallel_loop3A_230, %parallel_loop3A_251 : vector<16xf32>
        scf.yield %parallel_loop3A_243, %parallel_loop3A_252 : vector<16xf32>, vector<16xf32>
      } {sc.loop_unroll_factor = 2 : i64, sc.parallel_access}
      %reduce_sum3A_181 = arith.constant true
      %reduce_sum3A_182 = vector.broadcast %reduce_sum3A_181 : i1 to vector<16xi1>
      %reduce_sum3A_183 = tpu.scan <sum>, %parallel_loop3A_180#0 masked %reduce_sum3A_182 : vector<16xf32>, vector<16xi1> -> vector<16xf32>
      %reduce_sum3A_184 = vector.extract %reduce_sum3A_183[15] : f32 from vector<16xf32>
      %add3A_185 = vector.broadcast %reduce_sum3A_184 : f32 to vector<16xf32>
      %add3A_186 = arith.addf %broadcast_in_dim3A_3, %add3A_185 : vector<16xf32>
      %reduce_sum3A_187 = arith.constant true
      %reduce_sum3A_188 = vector.broadcast %reduce_sum3A_187 : i1 to vector<16xi1>
      %reduce_sum3A_189 = tpu.scan <sum>, %parallel_loop3A_180#1 masked %reduce_sum3A_188 : vector<16xf32>, vector<16xi1> -> vector<16xf32>
      %reduce_sum3A_190 = vector.extract %reduce_sum3A_189[15] : f32 from vector<16xf32>
      %add3A_191 = vector.broadcast %reduce_sum3A_190 : f32 to vector<16xf32>
      %add3A_192 = arith.addf %broadcast_in_dim3A_3, %add3A_191 : vector<16xf32>
      %max3A_193 = arith.constant 1.000000e+00 : f32
      %max3A_194 = vector.broadcast %max3A_193 : f32 to vector<16xf32>
      %max3A_195 = arith.maximumf %add3A_192, %max3A_194 : vector<16xf32>
      %add3A_196 = vector.broadcast %reduce_max3A_157 : f32 to vector<16xf32>
      %add3A_197 = arith.addf %broadcast_in_dim3A_3, %add3A_196 : vector<16xf32>
      %while3A_198 = arith.constant 0 : i32
      %while3A_199:5 = scf.while (%while3A_228 = %while3A_198, %while3A_229 = %add3A_161, %while3A_230 = %add3A_197, %while3A_231 = %add3A_186, %while3A_232 = %max3A_195) : (i32, vector<16xf32>, vector<16xf32>, vector<16xf32>, vector<16xf32>) -> (i32, vector<16xf32>, vector<16xf32>, vector<16xf32>, vector<16xf32>) {
        %lt3A_233 = arith.constant 20 : i32
        %lt3A_234 = arith.cmpi slt, %while3A_228, %lt3A_233 : i32
        %slice3A = vector.extract_strided_slice %while3A_230 {offsets = [0], sizes = [1], strides = [1]} : vector<16xf32> to vector<1xf32>
        %squeeze3A = vector.extract %slice3A[0] : f32 from vector<1xf32>
        %slice3A_235 = vector.extract_strided_slice %while3A_229 {offsets = [0], sizes = [1], strides = [1]} : vector<16xf32> to vector<1xf32>
        %squeeze3A_236 = vector.extract %slice3A_235[0] : f32 from vector<1xf32>
        %sub3A_237 = arith.subf %squeeze3A, %squeeze3A_236 : f32
        %gt3A_238 = arith.constant 9.99999974E-6 : f32
        %gt3A_239 = arith.cmpf ogt, %sub3A_237, %gt3A_238 : f32
        %and3A = arith.andi %lt3A_234, %gt3A_239 : i1
        scf.condition(%and3A) %while3A_228, %while3A_229, %while3A_230, %while3A_231, %while3A_232 : i32, vector<16xf32>, vector<16xf32>, vector<16xf32>, vector<16xf32>
      } do {
      ^bb0(%while3A_228: i32, %while3A_229: vector<16xf32>, %while3A_230: vector<16xf32>, %while3A_231: vector<16xf32>, %while3A_232: vector<16xf32>):
        %sub3A_233 = arith.constant 1.000000e+00 : f32
        %sub3A_234 = vector.broadcast %sub3A_233 : f32 to vector<16xf32>
        %sub3A_235 = arith.subf %while3A_231, %sub3A_234 : vector<16xf32>
        %div3A_236 = arith.divf %sub3A_235, %while3A_232 : vector<16xf32>
        %add3A_237 = arith.addf %while3A_229, %div3A_236 : vector<16xf32>
        %add3A_238 = arith.addf %while3A_229, %while3A_230 : vector<16xf32>
        %mul3A_239 = arith.constant 5.000000e-01 : f32
        %mul3A_240 = vector.broadcast %mul3A_239 : f32 to vector<16xf32>
        %mul3A_241 = arith.mulf %mul3A_240, %add3A_238 : vector<16xf32>
        %max3A_242 = arith.maximumf %add3A_237, %mul3A_241 : vector<16xf32>
        %max3A_243 = arith.maximumf %while3A_229, %max3A_242 : vector<16xf32>
        %min3A_244 = arith.minimumf %while3A_230, %max3A_243 : vector<16xf32>
        %parallel_loop3A_245 = arith.constant 0 : i32
        %parallel_loop3A_246 = arith.constant 1 : i32
        %parallel_loop3A_247:2 = scf.for %parallel_loop3A_268 = %parallel_loop3A_245 to %max3A_177 step %parallel_loop3A_246 iter_args(%parallel_loop3A_269 = %broadcast_in_dim3A_3, %parallel_loop3A_270 = %broadcast_in_dim3A_3) -> (vector<16xf32>, vector<16xf32>)  : i32 {
          %parallel_loop3A_271 = vector.broadcast %parallel_loop3A_268 : i32 to vector<16xi32>
          %parallel_loop3A_272 = arith.addi %mul3A_6, %parallel_loop3A_271 : vector<16xi32>
          %parallel_loop3A_273 = tpu.vector_load_idx %arg8[%parallel_loop3A_272] : memref<8192xf32, #tpu.memory_space<vmem>>[vector<16xi32>], vector<16xf32>,
          %parallel_loop3A_274 = vector.broadcast %parallel_loop3A_268 : i32 to vector<16xi32>
          %parallel_loop3A_275 = arith.cmpi sgt, %parallel_loop3A_167, %parallel_loop3A_274 : vector<16xi32>
          %parallel_loop3A_276 = arith.constant -1.000000e+30 : f32
          %parallel_loop3A_277 = vector.broadcast %parallel_loop3A_276 : f32 to vector<16xf32>
          %parallel_loop3A_278 = arith.select %parallel_loop3A_275, %parallel_loop3A_273, %parallel_loop3A_277 : vector<16xi1>, vector<16xf32>
          %parallel_loop3A_279 = arith.subf %parallel_loop3A_278, %min3A_244 : vector<16xf32>
          %parallel_loop3A_280 = arith.constant 0.000000e+00 : f32
          %parallel_loop3A_281 = vector.broadcast %parallel_loop3A_280 : f32 to vector<16xf32>
          %parallel_loop3A_282 = arith.maximumf %parallel_loop3A_279, %parallel_loop3A_281 : vector<16xf32>
          %parallel_loop3A_283 = arith.addf %parallel_loop3A_269, %parallel_loop3A_282 : vector<16xf32>
          %parallel_loop3A_284 = arith.constant 0.000000e+00 : f32
          %parallel_loop3A_285 = vector.broadcast %parallel_loop3A_284 : f32 to vector<16xf32>
          %parallel_loop3A_286 = arith.cmpf ogt, %parallel_loop3A_279, %parallel_loop3A_285 : vector<16xf32>
          %parallel_loop3A_287 = arith.constant 1.000000e+00 : f32
          %parallel_loop3A_288 = arith.constant 0.000000e+00 : f32
          %parallel_loop3A_289 = vector.broadcast %parallel_loop3A_287 : f32 to vector<16xf32>
          %parallel_loop3A_290 = vector.broadcast %parallel_loop3A_288 : f32 to vector<16xf32>
          %parallel_loop3A_291 = arith.select %parallel_loop3A_286, %parallel_loop3A_289, %parallel_loop3A_290 : vector<16xi1>, vector<16xf32>
          %parallel_loop3A_292 = arith.addf %parallel_loop3A_270, %parallel_loop3A_291 : vector<16xf32>
          scf.yield %parallel_loop3A_283, %parallel_loop3A_292 : vector<16xf32>, vector<16xf32>
        } {sc.loop_unroll_factor = 2 : i64, sc.parallel_access}
        %reduce_sum3A_248 = arith.constant true
        %reduce_sum3A_249 = vector.broadcast %reduce_sum3A_248 : i1 to vector<16xi1>
        %reduce_sum3A_250 = tpu.scan <sum>, %parallel_loop3A_247#0 masked %reduce_sum3A_249 : vector<16xf32>, vector<16xi1> -> vector<16xf32>
        %reduce_sum3A_251 = vector.extract %reduce_sum3A_250[15] : f32 from vector<16xf32>
        %add3A_252 = vector.broadcast %reduce_sum3A_251 : f32 to vector<16xf32>
        %add3A_253 = arith.addf %broadcast_in_dim3A_3, %add3A_252 : vector<16xf32>
        %reduce_sum3A_254 = arith.constant true
        %reduce_sum3A_255 = vector.broadcast %reduce_sum3A_254 : i1 to vector<16xi1>
        %reduce_sum3A_256 = tpu.scan <sum>, %parallel_loop3A_247#1 masked %reduce_sum3A_255 : vector<16xf32>, vector<16xi1> -> vector<16xf32>
        %reduce_sum3A_257 = vector.extract %reduce_sum3A_256[15] : f32 from vector<16xf32>
        %add3A_258 = vector.broadcast %reduce_sum3A_257 : f32 to vector<16xf32>
        %add3A_259 = arith.addf %broadcast_in_dim3A_3, %add3A_258 : vector<16xf32>
        %gt3A_260 = arith.constant 1.000000e+00 : f32
        %gt3A_261 = vector.broadcast %gt3A_260 : f32 to vector<16xf32>
        %gt3A_262 = arith.cmpf ogt, %add3A_253, %gt3A_261 : vector<16xf32>
        %add3A_263 = arith.constant 1 : i32
        %add3A_264 = arith.addi %while3A_228, %add3A_263 : i32
        %select_n3A = arith.select %gt3A_262, %min3A_244, %while3A_229 : vector<16xi1>, vector<16xf32>
        %select_n3A_265 = arith.select %gt3A_262, %while3A_230, %min3A_244 : vector<16xi1>, vector<16xf32>
        %select_n3A_266 = arith.select %gt3A_262, %add3A_253, %while3A_231 : vector<16xi1>, vector<16xf32>
        %select_n3A_267 = arith.select %gt3A_262, %add3A_259, %while3A_232 : vector<16xi1>, vector<16xf32>
        scf.yield %add3A_264, %select_n3A, %select_n3A_265, %select_n3A_266, %select_n3A_267 : i32, vector<16xf32>, vector<16xf32>, vector<16xf32>, vector<16xf32>
      }
      %sub3A_200 = arith.constant 1.000000e+00 : f32
      %sub3A_201 = vector.broadcast %sub3A_200 : f32 to vector<16xf32>
      %sub3A_202 = arith.subf %while3A_199#3, %sub3A_201 : vector<16xf32>
      %div3A_203 = arith.divf %sub3A_202, %while3A_199#4 : vector<16xf32>
      %add3A_204 = arith.addf %while3A_199#1, %div3A_203 : vector<16xf32>
      %max3A_205 = arith.maximumf %while3A_199#1, %add3A_204 : vector<16xf32>
      %min3A_206 = arith.minimumf %while3A_199#2, %max3A_205 : vector<16xf32>
      %gt3A_207 = arith.constant 0 : i32
      %gt3A_208 = arith.cmpi sgt, %scan3A_36, %gt3A_207 : i32
      %convert_element_type3A_209 = arith.extui %gt3A_208 : i1 to i32
      %cond3A_210 = arith.constant 0 : i32
      %cond3A_211 = arith.cmpi ne, %convert_element_type3A_209, %cond3A_210 : i32
      scf.if %cond3A_211 {
        %dma_wait3A_228 = arith.constant 0 : i32
        %dma_wait3A_229 = arith.constant 0 : i32
        %dma_wait3A_230 = arith.constant 0 : i32
        %dma_wait3A_231 = tpu.memref_slice %arg3[%dma_wait3A_228, %dma_wait3A_229, %dma_wait3A_230] : memref<64x32x8192xf32, #tpu.memory_space<hbm>> -> memref<1x1x8192xf32, #tpu.memory_space<hbm>>
        %dma_wait3A_232 = tpu.memref_squeeze %dma_wait3A_231 : memref<1x1x8192xf32, #tpu.memory_space<hbm>> -> memref<8192xf32, #tpu.memory_space<hbm>>
        %dma_wait3A_233 = arith.constant 0 : i32
        %dma_wait3A_234 = tpu.memref_slice %arg3[%dma_wait3A_228, %dma_wait3A_229, %dma_wait3A_233] : memref<64x32x8192xf32, #tpu.memory_space<hbm>> -> memref<1x1x8192xf32, #tpu.memory_space<hbm>>
        %dma_wait3A_235 = tpu.memref_squeeze %dma_wait3A_234 : memref<1x1x8192xf32, #tpu.memory_space<hbm>> -> memref<8192xf32, #tpu.memory_space<hbm>>
        tpu.wait_dma2 semaphore(%arg12 : memref<!tpu.dma_semaphore, #tpu.memory_space<semaphore_mem>>) src(%arg7 : memref<8192xf32, #tpu.memory_space<vmem>>) dst(%dma_wait3A_235 : memref<8192xf32, #tpu.memory_space<hbm>>)
      } else {
      }
      %parallel_loop3A_212 = arith.constant 0 : i32
      %parallel_loop3A_213 = arith.constant 8192 : i32
      %parallel_loop3A_214 = arith.constant 16 : i32
      scf.for %parallel_loop3A_228 = %parallel_loop3A_212 to %parallel_loop3A_213 step %parallel_loop3A_214  : i32 {
        %parallel_loop3A_229 = arith.index_cast %parallel_loop3A_228 : i32 to index
        %parallel_loop3A_230 = tpu.vector_load %arg5[%parallel_loop3A_229] {strides = array<i32>} : memref<8192xf32, #tpu.memory_space<vmem>>, vector<16xf32>,
        %parallel_loop3A_231 = arith.subf %parallel_loop3A_230, %min3A_206 : vector<16xf32>
        %parallel_loop3A_232 = arith.constant 0.000000e+00 : f32
        %parallel_loop3A_233 = vector.broadcast %parallel_loop3A_232 : f32 to vector<16xf32>
        %parallel_loop3A_234 = arith.maximumf %parallel_loop3A_231, %parallel_loop3A_233 : vector<16xf32>
        %parallel_loop3A_235 = arith.index_cast %parallel_loop3A_228 : i32 to index
        %parallel_loop3A_236 = tpu.vector_load %arg7[%parallel_loop3A_235] {strides = array<i32>} : memref<8192xf32, #tpu.memory_space<vmem>>, vector<16xf32>,
        tpu.vector_store %arg7[%parallel_loop3A_235], %parallel_loop3A_234 {strides = array<i32>} : memref<8192xf32, #tpu.memory_space<vmem>>, vector<16xf32>,
      } {sc.loop_unroll_factor = 8 : i64, sc.parallel_access}
      %add3A_215 = arith.constant 1 : i32
      %add3A_216 = arith.addi %mul3A_38, %add3A_215 : i32
      %add3A_217 = arith.addi %mul3A_2, %add3A_216 : i32
      %div3A_218 = arith.constant 32 : i32
      %div3A_219 = arith.divsi %add3A_217, %div3A_218 : i32
      %rem3A_220 = arith.constant 32 : i32
      %rem3A_221 = arith.remsi %add3A_217, %rem3A_220 : i32
      %dma_start3A_222 = arith.constant 0 : i32
      %dma_start3A_223 = tpu.memref_slice %arg3[%div3A_219, %rem3A_221, %dma_start3A_222] : memref<64x32x8192xf32, #tpu.memory_space<hbm>> -> memref<1x1x8192xf32, #tpu.memory_space<hbm>>
      %dma_start3A_224 = tpu.memref_squeeze %dma_start3A_223 : memref<1x1x8192xf32, #tpu.memory_space<hbm>> -> memref<8192xf32, #tpu.memory_space<hbm>>
      %dma_start3A_225 = arith.constant 0 : i32
      %dma_start3A_226 = tpu.memref_slice %arg3[%div3A_219, %rem3A_221, %dma_start3A_225] : memref<64x32x8192xf32, #tpu.memory_space<hbm>> -> memref<1x1x8192xf32, #tpu.memory_space<hbm>>
      %dma_start3A_227 = tpu.memref_squeeze %dma_start3A_226 : memref<1x1x8192xf32, #tpu.memory_space<hbm>> -> memref<8192xf32, #tpu.memory_space<hbm>>
      tpu.enqueue_dma source(%arg7 : memref<8192xf32, #tpu.memory_space<vmem>>) target(%dma_start3A_227 : memref<8192xf32, #tpu.memory_space<hbm>>) target_semaphore(%arg12 : memref<!tpu.dma_semaphore, #tpu.memory_space<semaphore_mem>>)
    }
    %scan3A_20 = arith.constant 32 : i32
    %dma_wait3A = arith.constant 0 : i32
    %dma_wait3A_21 = arith.constant 0 : i32
    %dma_wait3A_22 = arith.constant 0 : i32
    %dma_wait3A_23 = tpu.memref_slice %arg3[%dma_wait3A, %dma_wait3A_21, %dma_wait3A_22] : memref<64x32x8192xf32, #tpu.memory_space<hbm>> -> memref<1x1x8192xf32, #tpu.memory_space<hbm>>
    %dma_wait3A_24 = tpu.memref_squeeze %dma_wait3A_23 : memref<1x1x8192xf32, #tpu.memory_space<hbm>> -> memref<8192xf32, #tpu.memory_space<hbm>>
    %dma_wait3A_25 = arith.constant 0 : i32
    %dma_wait3A_26 = tpu.memref_slice %arg3[%dma_wait3A, %dma_wait3A_21, %dma_wait3A_25] : memref<64x32x8192xf32, #tpu.memory_space<hbm>> -> memref<1x1x8192xf32, #tpu.memory_space<hbm>>
    %dma_wait3A_27 = tpu.memref_squeeze %dma_wait3A_26 : memref<1x1x8192xf32, #tpu.memory_space<hbm>> -> memref<8192xf32, #tpu.memory_space<hbm>>
    tpu.wait_dma2 semaphore(%arg11 : memref<!tpu.dma_semaphore, #tpu.memory_space<semaphore_mem>>) src(%arg6 : memref<8192xf32, #tpu.memory_space<vmem>>) dst(%dma_wait3A_27 : memref<8192xf32, #tpu.memory_space<hbm>>)
    %dma_wait3A_28 = arith.constant 0 : i32
    %dma_wait3A_29 = arith.constant 0 : i32
    %dma_wait3A_30 = arith.constant 0 : i32
    %dma_wait3A_31 = tpu.memref_slice %arg3[%dma_wait3A_28, %dma_wait3A_29, %dma_wait3A_30] : memref<64x32x8192xf32, #tpu.memory_space<hbm>> -> memref<1x1x8192xf32, #tpu.memory_space<hbm>>
    %dma_wait3A_32 = tpu.memref_squeeze %dma_wait3A_31 : memref<1x1x8192xf32, #tpu.memory_space<hbm>> -> memref<8192xf32, #tpu.memory_space<hbm>>
    %dma_wait3A_33 = arith.constant 0 : i32
    %dma_wait3A_34 = tpu.memref_slice %arg3[%dma_wait3A_28, %dma_wait3A_29, %dma_wait3A_33] : memref<64x32x8192xf32, #tpu.memory_space<hbm>> -> memref<1x1x8192xf32, #tpu.memory_space<hbm>>
    %dma_wait3A_35 = tpu.memref_squeeze %dma_wait3A_34 : memref<1x1x8192xf32, #tpu.memory_space<hbm>> -> memref<8192xf32, #tpu.memory_space<hbm>>
    tpu.wait_dma2 semaphore(%arg12 : memref<!tpu.dma_semaphore, #tpu.memory_space<semaphore_mem>>) src(%arg7 : memref<8192xf32, #tpu.memory_space<vmem>>) dst(%dma_wait3A_35 : memref<8192xf32, #tpu.memory_space<hbm>>)
    return
  }
}

</mosaic_0001>

<sc_bundles>
// kernel: kernel.3.cloned.1.call-start
scs
__scs_entry_jumppad:
0x0: {  	(pc) =	sbr.rel $0x88, $3  }
0x1: {  	(tag) =	ssettag $0x0;
	lr =	simm.s32 $0x1  }
0x2: {  	[smem:$0x3FA0] =	sst lr;
	_ =	strace $0xD0000000  }
0x3: {  	_ = 	snop  }
0x4: {  	_ = 	snop  }
0x5: {  	_ = 	snop  }
0x6: {  	_ = 	snop  }
0x7: {  	_ = 	snop  }
__scs_overlays_trampoline_lowered:
0x8: {  	[smem:$0x3FAF] =	sst s0  }
0x9: {  	[smem:$0x3FB0] =	sst s1  }
0xa: {  	[smem:$0x3FB1] =	sst s2  }
0xb: {  	[smem:$0x3FB2] =	sst s3  }
0xc: {  	[smem:$0x3FB3] =	sst s4  }
0xd: {  	[smem:$0x3FB4] =	sst s5  }
0xe: {  	[smem:$0x3FB5] =	sst s6  }
0xf: {  	[smem:$0x3FB6] =	sst s7  }
0x10: {  	[smem:$0x3FB7] =	sst s8  }
0x11: {  	[smem:$0x3FB8] =	sst s9;
	s0 =	simm.s32 @!p0 $0x0  }
0x12: {  	s1 =	sld [smem:$0x3F9E];
	s0 =	simm.s32 @p0 $0x1  }
0x13: {  	[smem:$0x3FB9] =	sst s0;
	s0 =	simm.s32 @!p1 $0x0  }
0x14: {  	s2 =	sld [smem:$0x3F9D];
	s0 =	simm.s32 @p1 $0x1  }
0x15: {  	[smem:$0x3FBA] =	sst s0;
	s0 =	simm.s32 @!p2 $0x0  }
0x16: {  	s3 =	sld [smem:$0x3FDB];
	s0 =	simm.s32 @p2 $0x1  }
0x17: {  	s4 =	simm.s32 $0x1BF5;
	[smem:$0x3FBC] =	sst s0  }
0x18: {  	s0 =	sld [smem:$0x3F9F];
	_ =	swait.ge [sflag:s4], $0x0  }
0x19: {  	s7 =	sld [smem:$0x3FA0]  }
0x1a: {  	s8 =	sadd.s32 $0xFFFFE003, lr  }
0x1b: {  	s9 =	sadd.s32 $0xFFFFFEF7, lr;
	s5 =	simm.s32 $0xFFFFFFFF;
	p2 =	slt.u32 s8, $0xFFFFF086  }
0x1c: {  	p1 =	slt.u32 s9, $0xF7A;
	s5 =	simm.s32 @!p2 $0x0  }
0x1d: {  	s5 =	simm.s32 @p1 $0x1;
	p0 =	seq.s32 s7, s2  }
0x1e: {  	s7 =	smul.u32 @!p0 $0xF7A, s2;
	p2 =	seq.s32 @!p0 s5, $0x0  }
0x1f: {  	s9 =	smul.u32 $0xF7A, s1;
	s8 =	simm.s32 @!p0 $0x1BF5;
	p2 =	por !p2, p0  }
0x20: {  	[sflag:s8] =	ssyncset.s32 @!p0 $0xFFFFF086;
	s6 =	sadd.s32 @!p0 s3, s7;
	s7 =	simm.s32 @!p0 $0x108  }
0x21: {  	s3 =	sadd.s32 s3, s9;
	s6 =	sadd.s32 @!p0 $0x88, s6;
	s7 =	simm.s32 @p2 $0x1082  }
0x22: {  	[simem:s7], [sflag:s8] =	dma.local @!p0 [hbm:s6], $0xF7A  }
0x23: {  	s9 =	sor.u32 $0xD0000000, s2;
	s6 =	simm.s32 $0x108;
	_ =	swait.ge @!p0 [sflag:s8], $0x0  }
0x24: {  	s3 =	sadd.s32 $0x88, s3;
	s6 =	simm.s32 @!p1 $0x1082;
	[sflag:s4] =	ssyncset.s32 $0xFFFFF086  }
0x25: {  	[simem:s6], [sflag:s4] =	dma.local [hbm:s3], $0xF7A  }
0x26: {  	[smem:$0x3FA0] =	sst s1;
	(tag) =	ssettag s2;
	_ =	strace s9  }
0x27: {  	s1 =	sld [smem:$0x3FB0]  }
0x28: {  	s2 =	sld [smem:$0x3FB1]  }
0x29: {  	s4 =	sld [smem:$0x3FB3]  }
0x2a: {  	p0 =	seq.s32 s5, $0x0;
	s5 =	sld [smem:$0x3FB4]  }
0x2b: {  	s6 =	sld [smem:$0x3FB5]  }
0x2c: {  	s7 =	sld [smem:$0x3FB6]  }
0x2d: {  	s3 =	simm.s32 $0x108;
	s8 =	sld [smem:$0x3FB7]  }
0x2e: {  	s3 =	simm.s32 @!p0 $0x1082;
	s9 =	sld [smem:$0x3FB8]  }
0x2f: {  	lr =	sadd.s32 s0, s3;
	s0 =	sld [smem:$0x3FAF]  }
0x30: {  	s3 =	sld [smem:$0x3FB2]  }
0x31: {  	[smem:$0x3FBB] =	sst s10  }
0x32: {  	s10 =	sld [smem:$0x3FB9];
	_ =	sdelay $0x3  }
0x33: {  	p0 =	seq.s32 s10, $0x1;
	s10 =	sld [smem:$0x3FBB];
	_ =	sdelay $0x3  }
0x34: {  	[smem:$0x3FBB] =	sst s10  }
0x35: {  	s10 =	sld [smem:$0x3FBA];
	_ =	sdelay $0x3  }
0x36: {  	p1 =	seq.s32 s10, $0x1;
	s10 =	sld [smem:$0x3FBB];
	_ =	sdelay $0x3  }
0x37: {  	[smem:$0x3FBB] =	sst s10  }
0x38: {  	s10 =	sld [smem:$0x3FBC]  }
0x39: {  	_ = 	snop;
	(pc) =	sbr.ind lr, $3  }
0x3a: {  	_ = 	snop  }
0x3b: {  	_ = 	snop  }
0x3c: {  	p2 =	seq.s32 s10, $0x1;
	s10 =	sld [smem:$0x3FBB]  }
0x3d: {  	_ =	shalt  }
0x3e: {  	_ =	shalt  }
0x3f: {  	_ =	shalt  }
0x40: {  	_ =	shalt  }
0x41: {  	_ =	shalt  }
0x42: {  	_ =	shalt  }
0x43: {  	_ =	shalt  }
0x44: {  	_ =	shalt  }
0x45: {  	_ =	shalt  }
0x46: {  	_ =	shalt  }
0x47: {  	_ =	shalt  }
0x48: {  	_ =	shalt  }
0x49: {  	_ =	shalt  }
0x4a: {  	_ =	shalt  }
0x4b: {  	_ =	shalt  }
0x4c: {  	_ =	shalt  }
0x4d: {  	_ =	shalt  }
0x4e: {  	_ =	shalt  }
0x4f: {  	_ =	shalt  }
0x50: {  	_ =	shalt  }
0x51: {  	_ =	shalt  }
0x52: {  	_ =	shalt  }
0x53: {  	_ =	shalt  }
0x54: {  	_ =	shalt  }
0x55: {  	_ =	shalt  }
0x56: {  	_ =	shalt  }
0x57: {  	_ =	shalt  }
0x58: {  	_ =	shalt  }
0x59: {  	_ =	shalt  }
0x5a: {  	_ =	shalt  }
0x5b: {  	_ =	shalt  }
0x5c: {  	_ =	shalt  }
0x5d: {  	_ =	shalt  }
0x5e: {  	_ =	shalt  }
0x5f: {  	_ =	shalt  }
0x60: {  	_ =	shalt  }
0x61: {  	_ =	shalt  }
0x62: {  	_ =	shalt  }
0x63: {  	_ =	shalt  }
0x64: {  	_ =	shalt  }
0x65: {  	_ =	shalt  }
0x66: {  	_ =	shalt  }
0x67: {  	_ =	shalt  }
0x68: {  	_ =	shalt  }
0x69: {  	_ =	shalt  }
0x6a: {  	_ =	shalt  }
0x6b: {  	_ =	shalt  }
0x6c: {  	_ =	shalt  }
0x6d: {  	_ =	shalt  }
0x6e: {  	_ =	shalt  }
0x6f: {  	_ =	shalt  }
0x70: {  	_ =	shalt  }
0x71: {  	_ =	shalt  }
0x72: {  	_ =	shalt  }
0x73: {  	_ =	shalt  }
0x74: {  	_ =	shalt  }
0x75: {  	_ =	shalt  }
0x76: {  	_ =	shalt  }
0x77: {  	_ =	shalt  }
0x78: {  	_ =	shalt  }
0x79: {  	_ =	shalt  }
0x7a: {  	_ =	shalt  }
0x7b: {  	_ =	shalt  }
0x7c: {  	_ =	shalt  }
0x7d: {  	_ =	shalt  }
0x7e: {  	_ =	shalt  }
0x7f: {  	_ =	shalt  }
0x80: {  	_ =	shalt  }
0x81: {  	_ =	shalt  }
0x82: {  	_ =	shalt  }
0x83: {  	_ =	shalt  }
0x84: {  	_ =	shalt  }
0x85: {  	_ =	shalt  }
0x86: {  	_ =	shalt  }
0x87: {  	_ =	shalt  }
.Lfunc_end0:
.L_simem_size_0:
called_computation_lowered:
.L_overlay_start_0:
0x88: {  	s2 =	sld [smem:$0x3FD9]  }
0x89: {  	s3 =	sld [smem:$0x3FFE];
	_ =	sdelay $0x1  }
0x8a: {  	s1 =	srdreg.scid  }
0x8b: {  	s0 =	sand.u32 $0x1, s1  }
0x8c: {  	s18 =	sshll.u32 s0, $0xA;
	s2 =	sadd.s32 s3, s2  }
0x8d: {  	s2 =	sadd.s32 s2, s18  }
0x8e: {  	[smem:$0x3FC7] =	sst s2  }
0x8f: {  	_ = 	snop  }
0x90: {  	s2 =	sld [smem:$0x3FC9]  }
0x91: {  	s19 =	sld [smem:$0x3FD0];
	(tm) =	ssettm $0x1  }
0x92: {  	s4 =	sld [smem:$0x3FFB];
	_ =	sdelay $0x3  }
0x93: {  	_ =	strace s4  }
0x94: {  	s4 =	sld [smem:$0x3FFC];
	_ =	sdelay $0x3  }
0x95: {  	_ =	strace s4  }
0x96: {  	s4 =	sld [smem:$0x3FFD];
	_ =	sdelay $0x3  }
0x97: {  	_ =	strace s4  }
0x98: {  	_ =	strace $0x8FFFFFFF  }
0x99: {  	s20 =	sld [smem:$0x3FDB];
	_ =	sdelay $0x1  }
0x9a: {  	s5 =	simm.s32 $_scs_section_size  }
0x9b: {  	s6 =	simm.s32 $_size__tile_overlayer_lowered;
	s7 =	simm.s32 $_tile_overlayer_lowered  }
0x9c: {  	s23 =	simm.s32 $0x1BFF;
	s22 =	sshll.u32 s7, $0x1;
	s4 =	sadd.s32 s5, s20  }
0x9d: {  	s8 =	simm.s32 $0x0;
	s21 =	sshll.u32 s6, $0x1;
	s6 =	sadd.s32 s22, s4  }
0x9e: {  	[timem:s8], [sflag:s23] =	dma.local [hbm:s6], s21  }
0x9f: {  	_ =	swait.ge [sflag:s23], s21  }
0xa0: {  	s5 =	ssub.s32 $0x0, s21;
	[sflag:s23] =	ssyncset.done $0x0  }
0xa1: {  	[sflag:s23] =	ssyncadd.s32 s5;
	_ =	sdelay $0x1  }
0xa2: {  	s24 =	simm.s32 $0x1B8B  }
0xa3: {  	_ =	swait.ge [sflag:s24], $0x1  }
0xa4: {  	[sflag:s24] =	ssyncset.done $0x0  }
0xa5: {  	s25 =	simm.s32 $0x1B8E;
	[sflag:s24] =	ssyncadd.s32 $0xFFFFFFFF  }
0xa6: {  	s26 =	simm.s32 $execute0_lowered;
	[smem:$0x3FD2] =	sst s25  }
0xa7: {  	s5 =	sshll.u32 s26, $0x1;
	_ =	strace $0x80000046;
	[dreg:$0x1] =	wrdreg $0xFFFFFFFF  }
0xa8: {  	s28 =	simm.s32 $_size_execute0_lowered;
	s4 =	sadd.s32 s4, s5;
	[dreg:$0x0] =	wrdreg $0x0  }
0xa9: {  	s5 =	sshll.u32 s28, $0x1;
	[dreg:$0x2] =	wrdreg s4  }
0xaa: {  	[dreg:$0x3] =	wrdreg s5  }
0xab: {  	[dreg:$0x4] =	wrdreg $0xC0  }
0xac: {  	_ =	task [dreg:s8], $0x5FFFF  }
0xad: {  	[dreg:$0x1] =	wrdreg $0xFFFFFFFF  }
0xae: {  	[dreg:$0x0] =	wrdreg $0x60  }
0xaf: {  	[dreg:$0x2] =	wrdreg s2  }
0xb0: {  	[dreg:$0x3] =	wrdreg s19  }
0xb1: {  	[dreg:$0x4] =	wrdreg $0x9  }
0xb2: {  	_ =	task.clear_ibuf [dreg:s8], $0x5FFFF;
	_ =	strace $0x90000046  }
0xb3: {  	s29 =	simm.s32 $0x9;
	_ =	strace $0x80000048  }
0xb4: {  	_ =	swait.ge [sflag:s29], $0x1  }
0xb5: {  	[sflag:s29] =	ssyncadd.s32 $0xFFFFFFFF  }
0xb6: {  	_ =	strace $0x90000048  }
0xb7: {  	_ =	sfence  }
0xb8: {  	s30 =	sld [smem:$0x0];
	_ =	sdelay $0x2  }
0xb9: {  	s31 =	sshll.u32 s1, $0xD;
	s1 =	sshrl.u32 s1, $0x2  }
0xba: {  	s3 =	sand.u32 $0x4000, s31;
	s1 =	sadd.s32 s1, s30  }
0xbb: {  	s0 =	sor.u32 s3, s0;
	s1 =	sshll.u32 s1, $0x11  }
0xbc: {  	s0 =	sor.u32 s1, s0  }
0xbd: {  	s0 =	sadd.s32 $0x8F2B, s0  }
0xbe: {  	[sflag:s0] =	ssyncadd.remote.s32 $0x1  }
0xbf: {  	_ =	sfence.sel $0xFFFF  }
0xc0: {  	[dreg:$0x0] =	wrdreg $0xFFFFFFFF;
	(pc) =	sbr.abs _section_cstart, $3  }
0xc1: {  	[dreg:$0x1] =	wrdreg $0xFFFFFFFF  }
0xc2: {  	_ =	task.clear_ibuf [dreg:s8], $0x2FFFF;
	_ =	strace $0x9FFFFFFF  }
0xc3: {  	(tm) =	ssettm $0x7FFFFFFF  }
tec
execute0_lowered:
.L_overlay_start_1:
0x0: {  	(tag) =	ssettag $0x1  }
0x1: {  	s2 =	rddreg [dreg:$0x0];
	s0 =	srdreg.scid  }
0x2: {  	s3 =	rddreg [dreg:$0x1];
	s1 =	stileid.u32;
	s4 =	simm.s32 $0x0  }
0x3: {  	s8 =	simm.s32 $0x80;
	s9 =	simm.s32 $0x400;
	s10 =	simm.s32 $0x1  }
0x4: {  	s11 =	simm.s32 $0x2000;
	s12 =	simm.s32 $0x8000;
	s13 =	simm.s32 $0x4000  }
0x5: {  	s14 =	simm.s32 $0x2;
	s15 =	simm.s32 $0x6000;
	s16 =	simm.s32 $0x3  }
.Ltmp0:
0x6: {  	s17 =	simm.s32 $0x4;
	s0 =	sand.u32 $0x1, s0;
	(pc) =	sbr.rel .LBB2_1-.Ltmp0, $4  }
0x7: {  	s1 =	sshll.u32 s1, $0x7;
	s5 =	sshll.u32 s0, $0x6;
	s0 =	ssub.s32 $0x2, s0  }
0x8: {  	v0 =	vlaneseq.u32;
	s18 =	simm.s32 $0x0;
	s5 =	sor.u32 s5, s1;
	s31 =	sshrl.u32 s0, $0x1  }
0x9: {  	[smem:$0x7FF] =	sst s4;
	v0 =	vmul.u32 $0x200, v0;
	s6 =	sshll.u32 s5, $0xA;
	s0 =	ssub.s32 s0, s31  }
0xa: {  	v1 =	vimm.s32 $0x0;
	v2 =	vimm.f32 $0.0e+00;
	_ =	strace $0x80000047;
	s6 =	sadd.s32 s2, s6;
	s7 =	smax.u32 s0, $0x1  }
.LBB2_37:
0xb: {  	s18 =	sadd.s32 $0x1, s18  }
0xc: {  	_ =	swait.ge [sflag:s16], $0x2000;
	p0 =	sne.s32 s18, s7  }
.Ltmp1:
0xd: {  	[sflag:s16] =	ssyncset.done $0x0;
	(pc) =	sbr.rel @!p0 .LBB2_38-.Ltmp1, $4  }
0xe: {  	[sflag:s16] =	ssyncadd.s32 $0xFFFFE000  }
0xf: {  	_ =	swait.ge [sflag:s17], $0x2000  }
0x10: {  	[sflag:s17] =	ssyncset.done $0x0  }
0x11: {  	[sflag:s17] =	ssyncadd.s32 $0xFFFFE000  }
.LBB2_1:
0x12: {  	[tilespmem:s4], [sflag:$0x1] =	stream.strided.gather [hbm4b:s6+s8], $0x2000, s9, s8, $0x38;
	[tilespmem:$0xA000] =	vst v63  }
0x13: {  	s19 =	simm.s32 $0x0  }
.LBB2_2:
0x14: {  	s21 =	sshll.u32 s19, $0x1  }
0x15: {  	s0 =	sadd.s32 s5, s21  }
0x16: {  	s1 =	sshll.u32 s19, $0xB;
	s0 =	sshll.u32 s0, $0xA  }
0x17: {  	s20 =	sshll.u32 s19, $0x5;
	s1 =	sand.u32 $0x6000, s1;
	s0 =	sand.u32 $0x1F8000, s0  }
0x18: {  	s23 =	sand.u32 $0x60, s20;
	s22 =	sor.u32 s1, s0  }
0x19: {  	_ =	swait.ge [sflag:s10], $0x2000;
	s0 =	sor.u32 s23, s22  }
0x1a: {  	[sflag:s10] =	ssyncset.done $0x0;
	s20 =	sor.u32 $0x10, s0  }
0x1b: {  	s31 =	simm.s32 $0x40;
	[sflag:s10] =	ssyncadd.s32 $0xFFFFE000;
	s0 =	sadd.s32 s2, s20  }
0x1c: {  	[tilespmem:s11], [sflag:$0x2] =	stream.strided.gather [hbm4b:s0+s8], $0x2000, s9, s8, $0x38;
	[tilespmem:$0xA000] =	vst v63  }
0x1d: {  	v10 =	vld [tilespmem:s31+$0x0]  }
0x1e: {  	v3 =	vld [tilespmem:s31+$0x10]  }
0x1f: {  	v6 =	vld [tilespmem:s31+$0x20]  }
0x20: {  	v5 =	vld [tilespmem:s31+$0xFFFFFFC0]  }
0x21: {  	v4 =	vld [tilespmem:s31+$0xFFFFFFD0]  }
0x22: {  	v8 =	vld [tilespmem:s31+$0xFFFFFFE0]  }
0x23: {  	v7 =	vimm.f32 $-1.000000020e+30;
	v11 =	vld [tilespmem:s31+$0xFFFFFFF0]  }
0x24: {  	s24 =	simm.s32 $0x0;
	s25 =	simm.s32 $0xC0;
	v12 =	vimm.f32 $-1.000000020e+30;
	v13 =	vimm.f32 $-1.000000020e+30;
	v14 =	vimm.f32 $-1.000000020e+30;
	v9 =	vld [tilespmem:s31+$0x30]  }
.LBB2_3:
0x25: {  	v15 =	vld [tilespmem:s25+$0x0]  }
0x26: {  	v5 =	vmax.f32 v7, v5;
	s24 =	sadd.s32 $0x80, s24;
	v16 =	vld [tilespmem:s25+$0x10]  }
0x27: {  	v7 =	vmax.f32 v5, v10;
	p0 =	slt.u32 s24, $0x1F80;
	v17 =	vld [tilespmem:s25+$0x20]  }
.Ltmp2:
0x28: {  	v18 =	vmax.f32 v12, v4;
	v8 =	vmax.f32 v13, v8;
	v5 =	vld [tilespmem:s25+$0xFFFFFFC0];
	v11 =	vmax.f32 v14, v11;
	(pc) =	sbr.rel @p0 .LBB2_3-.Ltmp2, $4  }
0x29: {  	v12 =	vmax.f32 v18, v3;
	v13 =	vmax.f32 v8, v6;
	v4 =	vld [tilespmem:s25+$0xFFFFFFD0];
	v14 =	vmax.f32 v11, v9  }
0x2a: {  	v8 =	vld [tilespmem:s25+$0xFFFFFFE0];
	v10 =	vmov v15  }
0x2b: {  	v11 =	vld [tilespmem:s25+$0xFFFFFFF0];
	v3 =	vmov v16  }
0x2c: {  	v9 =	vld [tilespmem:s25+$0x30];
	s25 =	sadd.s32 $0x80, s25;
	v6 =	vmov v17  }
0x2d: {  	_ = 	snop  }
0x2e: {  	v5 =	vmax.f32 v7, v5  }
0x2f: {  	v5 =	vmax.f32 v5, v10  }
0x30: {  	v4 =	vmax.f32 v12, v4;
	v7 =	vmax.f32 v13, v8;
	v8 =	vmax.f32 v14, v11  }
0x31: {  	v3 =	vmax.f32 v4, v3;
	v4 =	vmax.f32 v7, v6;
	v6 =	vmax.f32 v8, v9  }
0x32: {  	v3 =	vmax.f32 v5, v3;
	v4 =	vmax.f32 v4, v6  }
0x33: {  	v3 =	vmax.f32 v3, v4  }
0x34: {  	(xrf0) =	vmax.scan.msk.f32 $0xffff, v3;
	_ =	sdelay $0x5  }
0x35: {  	v5, _, _ =	vpop (xrf0)  }
0x36: {  	(v2sf) =	vpush v5, $0xF;
	_ =	sdelay $0xc  }
0x37: {  	s0 =	simm.s32 $0x40  }
0x38: {  	v4 =	vld [tilespmem:s0+$0xFFFFFFC0]  }
0x39: {  	v6 =	vld [tilespmem:s0+$0xFFFFFFD0];
	s1 =	spop (v2sf)  }
0x3a: {  	v8 =	vld [tilespmem:s0+$0xFFFFFFE0];
	s26 =	sadd.f32 $-1.000000000e+00, s1  }
0x3b: {  	v10 =	vld [tilespmem:s0+$0xFFFFFFF0]  }
0x3c: {  	v15 =	vld [tilespmem:s0+$0x0];
	v3 =	vmov s26  }
0x3d: {  	v24 =	vld [tilespmem:s0+$0x10];
	v7 =	vimm.s32 $0x0;
	vm3 =	vgt.f32 v4, v3  }
0x3e: {  	v9 =	vadd.s32 v0, v7;
	vm1 =	vgt.f32 v6, v3;
	v11 =	vsel vm3, $0x1, v1  }
0x3f: {  	v16 =	vld [tilespmem:s0+$0x20];
	vm2 =	vgt.f32 v8, v3;
	v13 =	vadd.s32 v11, v7;
	v7 =	vsel vm1, $0x1, v1  }
0x40: {  	vm4 =	vgt.f32 v10, v3;
	v11 =	vadd.s32 v7, v13;
	v7 =	vsel vm2, $0x1, v1  }
0x41: {  	vm0 =	vgt.f32 v15, v3;
	v14 =	vadd.s32 v7, v11;
	v7 =	vsel vm4, $0x1, v1  }
0x42: {  	v17 =	vld [tilespmem:s0+$0x30];
	vm7 =	vgt.f32 v24, v3;
	v18 =	vadd.s32 v7, v14;
	v7 =	vsel vm0, $0x1, v1  }
0x43: {  	v19 =	vadd.s32 v7, v18;
	v7 =	vsel vm7, $0x1, v1  }
0x44: {  	vm6 =	vgt.f32 v16, v3;
	v7 =	vadd.s32 v7, v19  }
0x45: {  	s24 =	simm.s32 $0xC0;
	v25 =	vadd.s32 v0, v7  }
0x46: {  	v12 =	vld [tilespmem:s24+$0xFFFFFFC0];
	v20 =	vsel vm6, $0x1, v1  }
0x47: {  	vm8 =	vgt.f32 v17, v3;
	v27 =	vadd.s32 v0, v19;
	v20 =	vadd.s32 v20, v7;
	v7 =	vld [tilespmem:s24+$0xFFFFFFD0]  }
0x48: {  	vm5 =	vmmov vm4;
	[tilespmem:v9+s12+$0x0] =	vst.idx.msk vm3, v4;
	v4 =	vsel vm8, $0x1, v1;
	v9 =	vld [tilespmem:s24+$0xFFFFFFE0];
	v26 =	vadd.s32 v0, v20  }
0x49: {  	v23 =	vadd.s32 v0, v18;
	v4 =	vadd.s32 v4, v20;
	v20 =	vadd.s32 v0, v11;
	v11 =	vld [tilespmem:s24+$0xFFFFFFF0]  }
0x4a: {  	v21 =	vadd.s32 v0, v13;
	v13 =	vld [tilespmem:s24+$0x0];
	v22 =	vadd.s32 v0, v14;
	[tilespmem:v25+s12+$0x0] =	vst.idx.msk vm6, v16;
	vm6 =	vmmov vm2  }
0x4b: {  	vm4 =	vmmov vm1;
	v14 =	vld [tilespmem:s24+$0x10];
	vm3 =	vgt.f32 v12, v3  }
0x4c: {  	v18 =	vsel vm3, $0x1, v1;
	v19 =	vadd.s32 v0, v4;
	[tilespmem:v27+s12+$0x0] =	vst.idx.msk vm7, v24;
	vm1 =	vgt.f32 v7, v3;
	v16 =	vld [tilespmem:s24+$0x20]  }
0x4d: {  	s25 =	simm.s32 $0x80;
	v18 =	vadd.s32 v18, v4;
	vm2 =	vgt.f32 v9, v3;
	[tilespmem:v26+s12+$0x0] =	vst.idx.msk vm8, v17;
	v4 =	vsel vm1, $0x1, v1;
	v17 =	vld [tilespmem:s24+$0x30]  }
.LBB2_5:
0x4e: {  	s25 =	sadd.s32 $0x80, s25;
	v4 =	vadd.s32 v4, v18;
	v24 =	vsel vm2, $0x1, v1;
	vm8 =	vgt.f32 v11, v3;
	[tilespmem:v23+s12+$0x0] =	vst.idx.msk vm0, v15  }
0x4f: {  	p0 =	slt.u32 s25, $0x1F80;
	v15 =	vadd.s32 v24, v4;
	v23 =	vsel vm8, $0x1, v1;
	vm0 =	vgt.f32 v13, v3;
	[tilespmem:v22+s12+$0x0] =	vst.idx.msk vm5, v10  }
0x50: {  	v23 =	vadd.s32 v23, v15;
	v10 =	vsel vm0, $0x1, v1;
	vm7 =	vgt.f32 v14, v3;
	[tilespmem:v20+s12+$0x0] =	vst.idx.msk vm6, v8  }
0x51: {  	v10 =	vadd.s32 v10, v23;
	v25 =	vsel vm7, $0x1, v1;
	vm9 =	vgt.f32 v16, v3;
	[tilespmem:v21+s12+$0x0] =	vst.idx.msk vm4, v6  }
0x52: {  	s24 =	sadd.s32 $0x80, s24;
	[tilespmem:v19+s12+$0x0] =	vst.idx.msk vm3, v12;
	v21 =	vadd.s32 v25, v10;
	v22 =	vsel vm9, $0x1, v1;
	vm10 =	vgt.f32 v17, v3  }
0x53: {  	v8 =	vmovc v9;
	v6 =	vmovc v7;
	v12 =	vld [tilespmem:s24+$0xFFFFFFC0];
	v24 =	vadd.s32 v0, v21;
	v19 =	vadd.s32 v22, v21;
	v20 =	vsel vm10, $0x1, v1  }
0x54: {  	v25 =	vadd.s32 v0, v10;
	v7 =	vld [tilespmem:s24+$0xFFFFFFD0];
	v26 =	vadd.s32 v0, v19;
	v27 =	vadd.s32 v20, v19;
	v10 =	vmovc v11  }
0x55: {  	v23 =	vadd.s32 v0, v23;
	v22 =	vadd.s32 v0, v15;
	v15 =	vmovc v13;
	v20 =	vadd.s32 v0, v4;
	v9 =	vld [tilespmem:s24+$0xFFFFFFE0]  }
.Ltmp3:
0x56: {  	vm5 =	vmmov vm8;
	v28 =	vmovc v14;
	v21 =	vadd.s32 v0, v18;
	v19 =	vadd.s32 v0, v27;
	v11 =	vld [tilespmem:s24+$0xFFFFFFF0];
	(pc) =	sbr.rel @p0 .LBB2_5-.Ltmp3, $4  }
0x57: {  	vm6 =	vmmov vm2;
	vm4 =	vmmov vm1;
	v13 =	vld [tilespmem:s24+$0x0]  }
0x58: {  	vm3 =	vgt.f32 v12, v3;
	v14 =	vld [tilespmem:s24+$0x10];
	[tilespmem:v24+s12+$0x0] =	vst.idx.msk vm9, v16  }
0x59: {  	v4 =	vsel vm3, $0x1, v1;
	vm1 =	vgt.f32 v7, v3;
	v16 =	vld [tilespmem:s24+$0x20];
	[tilespmem:v26+s12+$0x0] =	vst.idx.msk vm10, v17  }
0x5a: {  	v18 =	vadd.s32 v4, v27;
	v4 =	vsel vm1, $0x1, v1;
	vm2 =	vgt.f32 v9, v3;
	v17 =	vld [tilespmem:s24+$0x30];
	[tilespmem:v25+s12+$0x0] =	vst.idx.msk vm7, v28  }
0x5b: {  	v24 =	vadd.s32 v4, v18;
	v4 =	vsel vm2, $0x1, v1;
	vm9 =	vgt.f32 v11, v3  }
0x5c: {  	v25 =	vadd.s32 v4, v24;
	v4 =	vsel vm9, $0x1, v1;
	vm7 =	vgt.f32 v13, v3  }
0x5d: {  	v26 =	vadd.s32 v4, v25;
	v4 =	vsel vm7, $0x1, v1;
	vm8 =	vgt.f32 v14, v3  }
0x5e: {  	v27 =	vadd.s32 v4, v26;
	v4 =	vsel vm8, $0x1, v1;
	vm10 =	vgt.f32 v16, v3  }
0x5f: {  	v28 =	vadd.s32 v4, v27;
	v4 =	vsel vm10, $0x1, v1;
	vm11 =	vgt.f32 v17, v3  }
0x60: {  	v29 =	vadd.s32 v4, v28;
	v4 =	vsel vm11, $0x1, v1  }
0x61: {  	v4 =	vadd.s32 v4, v29  }
0x62: {  	v30 =	vxor.u32 $0x80000000, v4  }
0x63: {  	(xrf0) =	vmax.scan.msk.u32 $0xffff, v30;
	_ =	sdelay $0x5  }
0x64: {  	v30, _, _ =	vpop (xrf0)  }
0x65: {  	(v2sf) =	vpush v30, $0xF;
	_ =	sdelay $0xc  }
0x66: {  	vm15 =	vmmov vm2  }
0x67: {  	[tilespmem:v23+s12+$0x0] =	vst.idx.msk vm0, v15;
	vm1 =	vmmov vm1;
	v62 =	vadd.s32 v0, v24  }
0x68: {  	[tilespmem:v22+s12+$0x0] =	vst.idx.msk vm5, v10;
	v63 =	vadd.s32 v0, v18;
	s0 =	spop (v2sf)  }
0x69: {  	[tilespmem:v20+s12+$0x0] =	vst.idx.msk vm6, v8;
	v61 =	vadd.s32 v0, v25;
	s24 =	sxor.u32 $0x80000000, s0  }
0x6a: {  	[tilespmem:v21+s12+$0x0] =	vst.idx.msk vm4, v6;
	v6 =	vadd.s32 v0, v26;
	p0 =	sgt.s32 s24, $0x1;
	s28 =	smov.u32 s24  }
0x6b: {  	[tilespmem:v19+s12+$0x0] =	vst.idx.msk vm3, v12;
	v60 =	vadd.s32 v0, v27;
	s28 =	simm.s32 @!p0 $0x1  }
0x6c: {  	v58 =	vadd.s32 v0, v28;
	[tilespmem:v62+s12+$0x0] =	vst.idx.msk vm15, v9;
	s25 =	sand.u32 $0x7FFFFFFE, s28  }
0x6d: {  	v59 =	vadd.s32 v0, v29;
	[tilespmem:v63+s12+$0x0] =	vst.idx.msk vm1, v7;
	p0 =	seq.s32 s25, $0x0  }
.Ltmp4:
0x6e: {  	[tilespmem:v61+s12+$0x0] =	vst.idx.msk vm9, v11;
	(pc) =	sbr.rel @p0 .LBB2_7-.Ltmp4, $4  }
0x6f: {  	[tilespmem:v6+s12+$0x0] =	vst.idx.msk vm7, v13  }
0x70: {  	[tilespmem:v60+s12+$0x0] =	vst.idx.msk vm8, v14  }
0x71: {  	[tilespmem:v58+s12+$0x0] =	vst.idx.msk vm10, v16  }
0x72: {  	vm14 =	vmmov vm9;
	[tilespmem:v59+s12+$0x0] =	vst.idx.msk vm11, v17  }
0x73: {  	p2 =	sgt.u32 s25, $0x2  }
.Ltmp5:
0x74: {  	_ = 	snop;
	(pc) =	sbr.rel @!p2 .LBB2_40-.Ltmp5, $4  }
0x75: {  	s31 =	simm.s32 $0x0  }
0x76: {  	v7 =	vadd.s32 s31, v0;
	v8 =	vmov s31  }
0x77: {  	s0 =	simm.s32 $0x1;
	v7 =	vand.u32 $0xFFFFFF80, v7;
	v8 =	vand.u32 $0x7E, v8  }
0x78: {  	v6 =	vimm.f32 $0.0e+00;
	s30 =	simm.s32 $0x2;
	p1 =	por $0x0, $0x0;
	v7 =	vor.u32 v8, v7;
	v8 =	vadd.s32 s0, v0  }
0x79: {  	_ =	sdelay $0x3  }
0x7a: {  	v10 =	vld.idx.msk [tilespmem:v7+s12+$0x0], $0xffff;
	v7 =	vadd.s32 s30, v0;
	v9 =	vmov s30;
	p2 =	sgt.u32 s25, $0x4  }
.Ltmp6:
0x7b: {  	v7 =	vand.u32 $0xFFFFFF80, v7;
	v11 =	vand.u32 $0x7E, v9;
	(pc) =	sbr.rel @!p2 .LBB2_42-.Ltmp6, $4  }
0x7c: {  	v9 =	vld.idx.msk [tilespmem:v8+s12+$0x0], $0xffff;
	v7 =	vor.u32 v11, v7  }
0x7d: {  	s29 =	simm.s32 $0x3  }
0x7e: {  	vm0 =	vgt.s32 v4, s31;
	v8 =	vadd.s32 s29, v0  }
0x7f: {  	s31 =	simm.s32 $0x4;
	p1 =	por $0x1, $0x1;
	v11 =	vimm.f32 $0.0e+00;
	v12 =	vnsel vm0, $0xF149F2CA, v10;
	v10 =	vimm.f32 $0.0e+00  }
.LBB2_43:
0x80: {  	v13 =	vadd.s32 s31, v0;
	v12 =	vsub.f32 v12, v3;
	vm0 =	vgt.s32 v4, s0;
	s1 =	smov.u32 s31;
	s0 =	smov.u32 s29  }
0x81: {  	v14 =	vmov s31;
	s31 =	sadd.s32 $0x2, s31;
	v13 =	vand.u32 $0xFFFFFF80, v13;
	v15 =	vld.idx.msk [tilespmem:v7+s12+$0x0], $0xffff;
	v7 =	vnsel vm0, $0xF149F2CA, v9  }
0x82: {  	v9 =	vand.u32 $0x7E, v14;
	p2 =	slt.u32 s31, s25;
	vm0 =	vgt.f32 v12, $0.0e+00;
	v14 =	vsub.f32 v7, v3  }
.Ltmp7:
0x83: {  	v7 =	vor.u32 v9, v13;
	v9 =	vld.idx.msk [tilespmem:v8+s12+$0x0], $0xffff;
	v8 =	vmax.f32 v12, $0.0e+00;
	v12 =	vsel vm0, $0x3F800000, v2;
	(pc) =	sbr.rel @p2 .LBB2_43-.Ltmp7, $4  }
0x84: {  	v10 =	vadd.f32 v8, v10;
	v11 =	vadd.f32 v12, v11;
	vm0 =	vgt.f32 v14, $0.0e+00  }
0x85: {  	vm1 =	vgt.s32 v4, s30;
	s29 =	sadd.s32 $0x1, s1;
	s30 =	smov.u32 s1;
	v12 =	vmax.f32 v14, $0.0e+00;
	v13 =	vsel vm0, $0x3F800000, v2  }
0x86: {  	v8 =	vadd.s32 s29, v0;
	v10 =	vadd.f32 v12, v10;
	v11 =	vadd.f32 v13, v11  }
0x87: {  	v12 =	vnsel vm1, $0xF149F2CA, v15  }
0x88: {  	s1 =	smov.u32 s0;
	s0 =	smov.u32 s29;
	s31 =	smov.u32 s30  }
.LBB2_45:
0x89: {  	_ =	sdelay $0x3  }
0x8a: {  	v12 =	vsub.f32 @p1 v12, v3;
	v7 =	vld.idx.msk [tilespmem:v7+s12+$0x0], $0xffff  }
0x8b: {  	vm0 =	vgt.s32 @p1 v4, s1  }
0x8c: {  	v8 =	vld.idx.msk [tilespmem:v8+s12+$0x0], $0xffff;
	vm1 =	vgt.s32 v4, s31;
	v9 =	vnsel @p1 vm0, $0xF149F2CA, v9;
	vm0 =	vgt.f32 @p1 v12, $0.0e+00  }
0x8d: {  	v9 =	vsub.f32 @p1 v9, v3;
	v12 =	vmax.f32 @p1 v12, $0.0e+00;
	v13 =	vsel @p1 vm0, $0x3F800000, v2  }
0x8e: {  	vm13 =	vgt.s32 v4, s0;
	v10 =	vadd.f32 @p1 v12, v10;
	v11 =	vadd.f32 @p1 v13, v11  }
0x8f: {  	vm0 =	vgt.f32 @p1 v9, $0.0e+00;
	v9 =	vmax.f32 @p1 v9, $0.0e+00;
	v7 =	vnsel vm1, $0xF149F2CA, v7  }
0x90: {  	v12 =	vsel @p1 vm0, $0x3F800000, v2;
	v9 =	vadd.f32 @p1 v9, v10;
	v7 =	vsub.f32 v7, v3  }
0x91: {  	v8 =	vnsel vm13, $0xF149F2CA, v8;
	v10 =	vadd.f32 @p1 v12, v11  }
.Ltmp8:
0x92: {  	v8 =	vsub.f32 v8, v3;
	v9 =	vpsel p1, v9, v6;
	vm14 =	vgt.f32 v7, $0.0e+00;
	(pc) =	sbr.rel .LBB2_8-.Ltmp8, $4  }
0x93: {  	v6 =	vpsel p1, v10, v6;
	v7 =	vmax.f32 v7, $0.0e+00;
	v62 =	vsel vm14, $0x3F800000, v2  }
0x94: {  	vm15 =	vgt.f32 v8, $0.0e+00;
	v7 =	vadd.f32 v7, v9;
	v63 =	vadd.f32 v62, v6  }
0x95: {  	v6 =	vmax.f32 v8, $0.0e+00;
	v8 =	vsel vm15, $0x3F800000, v2  }
0x96: {  	v6 =	vadd.f32 v6, v7;
	v7 =	vadd.f32 v8, v63  }
.LBB2_7:
0x97: {  	v6 =	vimm.f32 $0.0e+00;
	v7 =	vimm.f32 $0.0e+00  }
.LBB2_8:
0x98: {  	p1 =	seq.s32 s25, s28  }
.Ltmp9:
0x99: {  	_ = 	snop;
	(pc) =	sbr.rel @p1 .LBB2_10-.Ltmp9, $2  }
0x9a: {  	_ =	sdelay $0x2  }
0x9b: {  	s0 =	smov.u32 s25  }
.LBB2_9:
0x9c: {  	v8 =	vadd.s32 s0, v0;
	_ =	sdelay $0x4  }
0x9d: {  	v8 =	vld.idx.msk [tilespmem:v8+s12+$0x0], $0xffff;
	_ =	sdelay $0x3  }
0x9e: {  	vm0 =	vgt.s32 v4, s0;
	s0 =	sadd.s32 $0x1, s0  }
0x9f: {  	p2 =	sgt.s32 s24, s0;
	v8 =	vnsel vm0, $0xF149F2CA, v8  }
.Ltmp10:
0xa0: {  	v8 =	vsub.f32 v8, v3;
	(pc) =	sbr.rel @p2 .LBB2_9-.Ltmp10, $4  }
0xa1: {  	_ = 	snop  }
0xa2: {  	vm15 =	vgt.f32 v8, $0.0e+00  }
0xa3: {  	v8 =	vmax.f32 v8, $0.0e+00;
	v9 =	vsel vm15, $0x3F800000, v2  }
0xa4: {  	v6 =	vadd.f32 v8, v6;
	v7 =	vadd.f32 v9, v7  }
.LBB2_10:
0xa5: {  	v5 =	vadd.f32 $0.0e+00, v5;
	_ =	sdelay $0x1  }
0xa6: {  	(v2sf) =	vpush v5, $0xF;
	_ =	sdelay $0x7  }
0xa7: {  	(xrf2) =	vadd.scan.msk.f32 $0xffff, v6  }
0xa8: {  	(xrf2) =	vadd.scan.msk.f32 $0xffff, v7;
	_ =	sdelay $0x5  }
0xa9: {  	s0 =	spop (v2sf)  }
0xaa: {  	s0 =	ssub.f32 s0, s26;
	_ =	sdelay $0x1  }
0xab: {  	v6, _, _ =	vpop (xrf2);
	p2 =	sgt.f32 s0, $9.999999740e-06  }
.Ltmp11:
0xac: {  	v7, _, _ =	vpop (xrf2);
	(pc) =	sbr.rel @!p2 .LBB2_17-.Ltmp11, $4  }
.Ltmp12:
0xad: {  	v7 =	vadd.f32 $0.0e+00, v7;
	(pc) =	sbr.rel @p2 .LBB2_11-.Ltmp12, $4  }
0xae: {  	v6 =	vadd.f32 $0.0e+00, v6  }
0xaf: {  	v5 =	vbroadcast v5, $0xF;
	v7 =	vmax.f32 v7, $1.000000000e+00  }
0xb0: {  	v6 =	vbroadcast v6, $0xF;
	v7 =	vbroadcast v7, $0xF;
	s26 =	simm.s32 $0x0  }
0xb1: {  	_ = 	snop  }
.LBB2_15:
0xb2: {  	(xrf2) =	vadd.scan.msk.f32 $0xffff, v10;
	_ =	sdelay $0x9  }
0xb3: {  	v10, _, _ =	vpop (xrf2)  }
0xb4: {  	v10 =	vadd.f32 $0.0e+00, v10;
	_ =	sdelay $0x1  }
0xb5: {  	v10 =	vbroadcast v10, $0xF;
	_ =	sdelay $0x1  }
0xb6: {  	vm0 =	vgt.f32 v10, $1.000000000e+00  }
0xb7: {  	v5 =	vsel vm0, v5, v8  }
0xb8: {  	v3 =	vsel vm0, v8, v3;
	(v2sf) =	vpush v5, $0x0  }
0xb9: {  	(v2sf) =	vpush v3, $0x0;
	_ =	sdelay $0x9  }
0xba: {  	(xrf2) =	vadd.scan.msk.f32 $0xffff, v9;
	_ =	sdelay $0x3  }
0xbb: {  	s0 =	spop (v2sf)  }
0xbc: {  	s1 =	spop (v2sf)  }
0xbd: {  	s0 =	ssub.f32 s0, s1  }
0xbe: {  	p2 =	sgt.u32 s26, $0x12  }
0xbf: {  	p3 =	sgt.f32 @!p2 s0, $9.999999740e-06;
	_ =	sdelay $0x1  }
0xc0: {  	v8, _, _ =	vpop (xrf2);
	p3 =	por p2, !p3  }
.Ltmp13:
0xc1: {  	v8 =	vadd.f32 $0.0e+00, v8;
	(pc) =	sbr.rel @p3 .LBB2_16-.Ltmp13, $3  }
0xc2: {  	_ = 	snop  }
0xc3: {  	v8 =	vbroadcast v8, $0xF;
	_ =	sdelay $0x1  }
0xc4: {  	s26 =	sadd.s32 $0x1, s26;
	v6 =	vsel vm0, v10, v6;
	v7 =	vsel vm0, v8, v7  }
.LBB2_11:
0xc5: {  	(erf) = vrcp.f32 v7;
	_ =	sdelay $0x7  }
0xc6: {  	v8 =	vadd.f32 $-1.000000000e+00, v6  }
0xc7: {  	v9 =	vpop (erf)  }
0xc8: {  	v8 =	vmul.f32 v9, v8;
	v9 =	vadd.f32 v5, v3;
	_ =	sdelay $0x1  }
.Ltmp14:
0xc9: {  	v8 =	vadd.f32 v8, v3;
	v9 =	vmul.f32 $5.000000000e-01, v9;
	(pc) =	sbr.rel @p0 .LBB2_12-.Ltmp14, $4  }
0xca: {  	_ = 	snop  }
0xcb: {  	v8 =	vmax.f32 v8, v9  }
0xcc: {  	v8 =	vmax.f32 v3, v8  }
0xcd: {  	v8 =	vmin.f32 v5, v8  }
0xce: {  	p3 =	sgt.u32 s25, $0x2  }
.Ltmp15:
0xcf: {  	_ = 	snop;
	(pc) =	sbr.rel @!p3 .LBB2_47-.Ltmp15, $4  }
0xd0: {  	s30 =	simm.s32 $0x0  }
0xd1: {  	v10 =	vadd.s32 s30, v0;
	v11 =	vmov s30  }
0xd2: {  	s28 =	simm.s32 $0x1;
	v10 =	vand.u32 $0xFFFFFF80, v10;
	v11 =	vand.u32 $0x7E, v11  }
0xd3: {  	v9 =	vimm.f32 $0.0e+00;
	s29 =	simm.s32 $0x2;
	p2 =	por $0x0, $0x0;
	v10 =	vor.u32 v11, v10;
	v11 =	vadd.s32 s28, v0  }
0xd4: {  	_ =	sdelay $0x3  }
0xd5: {  	v13 =	vld.idx.msk [tilespmem:v10+s12+$0x0], $0xffff;
	v10 =	vadd.s32 s29, v0;
	v12 =	vmov s29;
	p3 =	sgt.u32 s25, $0x4  }
.Ltmp16:
0xd6: {  	v10 =	vand.u32 $0xFFFFFF80, v10;
	v14 =	vand.u32 $0x7E, v12;
	(pc) =	sbr.rel @!p3 .LBB2_49-.Ltmp16, $4  }
0xd7: {  	v12 =	vld.idx.msk [tilespmem:v11+s12+$0x0], $0xffff;
	v10 =	vor.u32 v14, v10  }
0xd8: {  	s0 =	simm.s32 $0x3  }
0xd9: {  	vm0 =	vgt.s32 v4, s30;
	v11 =	vadd.s32 s0, v0  }
0xda: {  	s30 =	simm.s32 $0x4;
	p2 =	por $0x1, $0x1;
	v14 =	vimm.f32 $0.0e+00;
	v15 =	vnsel vm0, $0xF149F2CA, v13;
	v13 =	vimm.f32 $0.0e+00  }
.LBB2_50:
0xdb: {  	v16 =	vadd.s32 s30, v0;
	v15 =	vsub.f32 v15, v8;
	vm0 =	vgt.s32 v4, s28;
	s1 =	smov.u32 s30;
	s28 =	smov.u32 s0  }
0xdc: {  	v17 =	vmov s30;
	s30 =	sadd.s32 $0x2, s30;
	v16 =	vand.u32 $0xFFFFFF80, v16;
	v18 =	vld.idx.msk [tilespmem:v10+s12+$0x0], $0xffff;
	v10 =	vnsel vm0, $0xF149F2CA, v12  }
0xdd: {  	v12 =	vand.u32 $0x7E, v17;
	p3 =	slt.u32 s30, s25;
	vm0 =	vgt.f32 v15, $0.0e+00;
	v17 =	vsub.f32 v10, v8  }
.Ltmp17:
0xde: {  	v10 =	vor.u32 v12, v16;
	v12 =	vld.idx.msk [tilespmem:v11+s12+$0x0], $0xffff;
	v11 =	vmax.f32 v15, $0.0e+00;
	v15 =	vsel vm0, $0x3F800000, v2;
	(pc) =	sbr.rel @p3 .LBB2_50-.Ltmp17, $4  }
0xdf: {  	v13 =	vadd.f32 v11, v13;
	v14 =	vadd.f32 v15, v14;
	vm0 =	vgt.f32 v17, $0.0e+00  }
0xe0: {  	vm1 =	vgt.s32 v4, s29;
	s0 =	sadd.s32 $0x1, s1;
	s29 =	smov.u32 s1;
	v15 =	vmax.f32 v17, $0.0e+00;
	v16 =	vsel vm0, $0x3F800000, v2  }
0xe1: {  	v11 =	vadd.s32 s0, v0;
	v13 =	vadd.f32 v15, v13;
	v14 =	vadd.f32 v16, v14  }
0xe2: {  	v15 =	vnsel vm1, $0xF149F2CA, v18  }
0xe3: {  	s1 =	smov.u32 s28;
	s28 =	smov.u32 s0;
	s30 =	smov.u32 s29  }
.LBB2_52:
0xe4: {  	_ =	sdelay $0x3  }
0xe5: {  	v15 =	vsub.f32 @p2 v15, v8;
	v10 =	vld.idx.msk [tilespmem:v10+s12+$0x0], $0xffff  }
0xe6: {  	vm0 =	vgt.s32 @p2 v4, s1  }
0xe7: {  	v11 =	vld.idx.msk [tilespmem:v11+s12+$0x0], $0xffff;
	vm1 =	vgt.s32 v4, s30;
	v12 =	vnsel @p2 vm0, $0xF149F2CA, v12;
	vm0 =	vgt.f32 @p2 v15, $0.0e+00  }
0xe8: {  	v12 =	vsub.f32 @p2 v12, v8;
	v15 =	vmax.f32 @p2 v15, $0.0e+00;
	v16 =	vsel @p2 vm0, $0x3F800000, v2  }
0xe9: {  	vm13 =	vgt.s32 v4, s28;
	v13 =	vadd.f32 @p2 v15, v13;
	v14 =	vadd.f32 @p2 v16, v14  }
0xea: {  	vm0 =	vgt.f32 @p2 v12, $0.0e+00;
	v12 =	vmax.f32 @p2 v12, $0.0e+00;
	v10 =	vnsel vm1, $0xF149F2CA, v10  }
0xeb: {  	v15 =	vsel @p2 vm0, $0x3F800000, v2;
	v12 =	vadd.f32 @p2 v12, v13;
	v10 =	vsub.f32 v10, v8  }
0xec: {  	v11 =	vnsel vm13, $0xF149F2CA, v11;
	v13 =	vadd.f32 @p2 v15, v14  }
.Ltmp18:
0xed: {  	v11 =	vsub.f32 v11, v8;
	v12 =	vpsel p2, v12, v9;
	vm14 =	vgt.f32 v10, $0.0e+00;
	(pc) =	sbr.rel .LBB2_13-.Ltmp18, $4  }
0xee: {  	v9 =	vpsel p2, v13, v9;
	v10 =	vmax.f32 v10, $0.0e+00;
	v62 =	vsel vm14, $0x3F800000, v2  }
0xef: {  	vm15 =	vgt.f32 v11, $0.0e+00;
	v10 =	vadd.f32 v10, v12;
	v9 =	vadd.f32 v62, v9  }
0xf0: {  	v11 =	vmax.f32 v11, $0.0e+00;
	v63 =	vsel vm15, $0x3F800000, v2  }
0xf1: {  	v10 =	vadd.f32 v11, v10;
	v9 =	vadd.f32 v63, v9  }
.LBB2_12:
0xf2: {  	v10 =	vimm.f32 $0.0e+00;
	v9 =	vimm.f32 $0.0e+00  }
.LBB2_13:
.Ltmp19:
0xf3: {  	(pc) =	sbr.rel @p1 .LBB2_15-.Ltmp19, $2  }
0xf4: {  	_ =	sdelay $0x2  }
0xf5: {  	s0 =	smov.u32 s25  }
.LBB2_14:
0xf6: {  	v11 =	vadd.s32 s0, v0;
	_ =	sdelay $0x4  }
0xf7: {  	v11 =	vld.idx.msk [tilespmem:v11+s12+$0x0], $0xffff;
	_ =	sdelay $0x3  }
0xf8: {  	vm0 =	vgt.s32 v4, s0;
	s0 =	sadd.s32 $0x1, s0  }
0xf9: {  	p2 =	sgt.s32 s24, s0;
	v11 =	vnsel vm0, $0xF149F2CA, v11  }
.Ltmp20:
0xfa: {  	v11 =	vsub.f32 v11, v8;
	(pc) =	sbr.rel @p2 .LBB2_14-.Ltmp20, $4  }
0xfb: {  	_ = 	snop  }
0xfc: {  	vm15 =	vgt.f32 v11, $0.0e+00  }
0xfd: {  	v11 =	vmax.f32 v11, $0.0e+00;
	v12 =	vsel vm15, $0x3F800000, v2  }
0xfe: {  	v10 =	vadd.f32 v11, v10;
	v9 =	vadd.f32 v12, v9  }
.Ltmp21:
0xff: {  	_ = 	snop;
	(pc) =	sbr.rel .LBB2_15-.Ltmp21, $1  }
0x100: {  	_ =	sdelay $0x3  }
.LBB2_47:
.Ltmp22:
0x101: {  	(pc) =	sbr.rel .LBB2_52-.Ltmp22, $2  }
0x102: {  	_ =	sdelay $0x2  }
0x103: {  	v13 =	vimm.f32 $0.0e+00;
	v14 =	vimm.f32 $0.0e+00  }
.LBB2_49:
.Ltmp23:
0x104: {  	(pc) =	sbr.rel .LBB2_52-.Ltmp23, $2  }
0x105: {  	_ =	sdelay $0x2  }
0x106: {  	s1 =	simm.s32 $0x1;
	s28 =	simm.s32 $0x3;
	v13 =	vimm.f32 $0.0e+00;
	v14 =	vimm.f32 $0.0e+00;
	s30 =	simm.s32 $0x2  }
.LBB2_16:
0x107: {  	v3 =	vpsel p2, v3, v3  }
0x108: {  	v5 =	vpsel p2, v5, v5;
	v6 =	vpsel p2, v6, v6;
	v7 =	vpsel p2, v7, v7  }
.LBB2_17:
0x109: {  	(erf) = vrcp.f32 v7;
	_ =	sdelay $0x7  }
0x10a: {  	p0 =	seq.s32 s19, $0x0  }
0x10b: {  	s0 =	simm.s32 @!p0 $0x3;
	v4 =	vpop (erf)  }
0x10c: {  	v6 =	vadd.f32 $-1.000000000e+00, v6;
	_ =	swait.ge @!p0 [sflag:s0], $0x2000  }
0x10d: {  	[sflag:s0] =	ssyncset.done @!p0 $0x0  }
0x10e: {  	s31 =	simm.s32 $0x40;
	v4 =	vmul.f32 v4, v6;
	[sflag:s0] =	ssyncadd.s32 @!p0 $0xFFFFE000  }
0x10f: {  	v7 =	vld [tilespmem:s31+$0x30]  }
0x110: {  	v4 =	vadd.f32 v4, v3;
	v9 =	vld [tilespmem:s31+$0xFFFFFFD0]  }
0x111: {  	v11 =	vld [tilespmem:s31+$0xFFFFFFE0]  }
0x112: {  	v8 =	vld [tilespmem:s31+$0xFFFFFFF0];
	v3 =	vmax.f32 v3, v4  }
0x113: {  	v6 =	vld [tilespmem:s31+$0x0];
	v3 =	vmin.f32 v5, v3  }
0x114: {  	v4 =	vld [tilespmem:s31+$0x10];
	v12 =	vsub.f32 v7, v3  }
0x115: {  	v5 =	vld [tilespmem:s31+$0x20];
	v10 =	vsub.f32 v9, v3  }
0x116: {  	s24 =	simm.s32 $0x4040;
	s25 =	simm.s32 $0x0;
	s26 =	simm.s32 $0xC0;
	v7 =	vld [tilespmem:s31+$0xFFFFFFC0];
	v9 =	vsub.f32 v11, v3;
	v11 =	vmax.f32 v12, $0.0e+00  }
.LBB2_18:
0x117: {  	v12 =	vld [tilespmem:s26+$0x30];
	s25 =	sadd.s32 $0x80, s25;
	v10 =	vmax.f32 v10, $0.0e+00;
	v8 =	vsub.f32 v8, v3;
	[tilespmem:s24+$0x30] =	vst v11  }
0x118: {  	v11 =	vld [tilespmem:s26+$0xFFFFFFD0];
	p1 =	slt.u32 s25, $0x1F80;
	[tilespmem:s24+$0xFFFFFFD0] =	vst v10;
	v9 =	vmax.f32 v9, $0.0e+00;
	v6 =	vsub.f32 v6, v3  }
0x119: {  	v13 =	vld [tilespmem:s26+$0xFFFFFFE0];
	[tilespmem:s24+$0xFFFFFFE0] =	vst v9;
	v9 =	vmax.f32 v8, $0.0e+00;
	v4 =	vsub.f32 v4, v3  }
.Ltmp24:
0x11a: {  	v8 =	vld [tilespmem:s26+$0xFFFFFFF0];
	[tilespmem:s24+$0xFFFFFFF0] =	vst v9;
	v9 =	vmax.f32 v6, $0.0e+00;
	v5 =	vsub.f32 v5, v3;
	(pc) =	sbr.rel @p1 .LBB2_18-.Ltmp24, $4  }
0x11b: {  	v6 =	vld [tilespmem:s26+$0x0];
	v7 =	vsub.f32 v7, v3;
	[tilespmem:s24+$0x0] =	vst v9;
	v9 =	vmax.f32 v4, $0.0e+00  }
0x11c: {  	v4 =	vld [tilespmem:s26+$0x10];
	v12 =	vsub.f32 v12, v3;
	[tilespmem:s24+$0x10] =	vst v9;
	v9 =	vmax.f32 v5, $0.0e+00  }
0x11d: {  	v10 =	vsub.f32 v11, v3;
	v5 =	vld [tilespmem:s26+$0x20];
	v14 =	vmax.f32 v7, $0.0e+00;
	[tilespmem:s24+$0x20] =	vst v9  }
0x11e: {  	v7 =	vld [tilespmem:s26+$0xFFFFFFC0];
	v9 =	vsub.f32 v13, v3;
	v11 =	vmax.f32 v12, $0.0e+00;
	s26 =	sadd.s32 $0x80, s26;
	[tilespmem:s24+$0xFFFFFFC0] =	vst v14;
	s24 =	sadd.s32 $0x80, s24  }
0x11f: {  	v10 =	vmax.f32 v10, $0.0e+00;
	v8 =	vsub.f32 v8, v3;
	[tilespmem:s24+$0x30] =	vst v11  }
0x120: {  	[tilespmem:s24+$0xFFFFFFD0] =	vst v10;
	v9 =	vmax.f32 v9, $0.0e+00;
	v6 =	vsub.f32 v6, v3  }
0x121: {  	[tilespmem:s24+$0xFFFFFFE0] =	vst v9;
	v8 =	vmax.f32 v8, $0.0e+00;
	v4 =	vsub.f32 v4, v3  }
0x122: {  	[tilespmem:s24+$0xFFFFFFF0] =	vst v8;
	v6 =	vmax.f32 v6, $0.0e+00;
	v5 =	vsub.f32 v5, v3  }
0x123: {  	v3 =	vsub.f32 v7, v3;
	[tilespmem:s24+$0x0] =	vst v6;
	v4 =	vmax.f32 v4, $0.0e+00  }
0x124: {  	[tilespmem:s24+$0x10] =	vst v4;
	v4 =	vmax.f32 v5, $0.0e+00  }
0x125: {  	s0 =	sadd.s32 s3, s23;
	v3 =	vmax.f32 v3, $0.0e+00;
	[tilespmem:s24+$0x20] =	vst v4  }
0x126: {  	p1 =	seq.s32 s19, $0x1F;
	s0 =	sadd.s32 s22, s0;
	[tilespmem:s24+$0xFFFFFFC0] =	vst v3  }
0x127: {  	[hbm4b:s0+s8] =	stream.strided.scatter [tilespmem:s13], [sflag:$0x3], $0x2000, s9, s8, $0x38;
	[tilespmem:$0xA000] =	vst v63  }
0x128: {  	s31 =	simm.s32 $0x2040;
	s22 =	simm.s32 @!p1 $0x0;
	s0 =	sadd.s32 @!p1 $0x2, s21  }
0x129: {  	_ =	swait.ge [sflag:s14], $0x2000;
	s1 =	sadd.s32 @!p1 s5, s0;
	s21 =	sshll.u32 @!p1 s0, $0xA  }
0x12a: {  	s0 =	sshll.u32 @!p1 s0, $0x4;
	s1 =	sshll.u32 @!p1 s1, $0xA;
	s21 =	sand.u32 @!p1 $0x6000, s21  }
0x12b: {  	s0 =	sand.u32 @!p1 $0x60, s0;
	[sflag:s14] =	ssyncset.done $0x0;
	s1 =	sand.u32 @!p1 $0x3F8000, s1  }
0x12c: {  	s0 =	sadd.s32 @!p1 s2, s0;
	[sflag:s14] =	ssyncadd.s32 $0xFFFFE000;
	s1 =	sor.u32 @!p1 s1, s21  }
0x12d: {  	s21 =	simm.s32 @!p1 $0x400;
	s0 =	sadd.s32 @!p1 s1, s0;
	s1 =	simm.s32 @!p1 $0x80  }
0x12e: {  	[tilespmem:s22], [sflag:$0x1] =	stream.strided.gather @!p1 [hbm4b:s0+s1], $0x2000, s21, s1, $0x38;
	[tilespmem:$0xA000] =	vst v63  }
0x12f: {  	v10 =	vld [tilespmem:s31+$0x0]  }
0x130: {  	v3 =	vld [tilespmem:s31+$0x10]  }
0x131: {  	v6 =	vld [tilespmem:s31+$0x20]  }
0x132: {  	v5 =	vld [tilespmem:s31+$0xFFFFFFC0]  }
0x133: {  	v4 =	vld [tilespmem:s31+$0xFFFFFFD0]  }
0x134: {  	v8 =	vld [tilespmem:s31+$0xFFFFFFE0]  }
0x135: {  	v12 =	vimm.f32 $-1.000000020e+30;
	v11 =	vld [tilespmem:s31+$0xFFFFFFF0]  }
0x136: {  	v13 =	vimm.f32 $-1.000000020e+30;
	v14 =	vimm.f32 $-1.000000020e+30;
	v7 =	vimm.f32 $-1.000000020e+30;
	s21 =	simm.s32 $0x0;
	s22 =	simm.s32 $0x20C0;
	v9 =	vld [tilespmem:s31+$0x30]  }
.LBB2_20:
0x137: {  	v15 =	vld [tilespmem:s22+$0x0]  }
0x138: {  	v5 =	vmax.f32 v7, v5;
	s21 =	sadd.s32 $0x80, s21;
	v16 =	vld [tilespmem:s22+$0x10]  }
0x139: {  	v7 =	vmax.f32 v5, v10;
	p1 =	slt.u32 s21, $0x1F80;
	v17 =	vld [tilespmem:s22+$0x20]  }
.Ltmp25:
0x13a: {  	v18 =	vmax.f32 v12, v4;
	v8 =	vmax.f32 v13, v8;
	v5 =	vld [tilespmem:s22+$0xFFFFFFC0];
	v11 =	vmax.f32 v14, v11;
	(pc) =	sbr.rel @p1 .LBB2_20-.Ltmp25, $4  }
0x13b: {  	v12 =	vmax.f32 v18, v3;
	v13 =	vmax.f32 v8, v6;
	v4 =	vld [tilespmem:s22+$0xFFFFFFD0];
	v14 =	vmax.f32 v11, v9  }
0x13c: {  	v8 =	vld [tilespmem:s22+$0xFFFFFFE0];
	v10 =	vmov v15  }
0x13d: {  	v11 =	vld [tilespmem:s22+$0xFFFFFFF0];
	v3 =	vmov v16  }
0x13e: {  	v9 =	vld [tilespmem:s22+$0x30];
	s22 =	sadd.s32 $0x80, s22;
	v6 =	vmov v17  }
0x13f: {  	_ = 	snop  }
0x140: {  	v5 =	vmax.f32 v7, v5  }
0x141: {  	v5 =	vmax.f32 v5, v10  }
0x142: {  	v4 =	vmax.f32 v12, v4;
	v7 =	vmax.f32 v13, v8;
	v8 =	vmax.f32 v14, v11  }
0x143: {  	v3 =	vmax.f32 v4, v3;
	v4 =	vmax.f32 v7, v6;
	v6 =	vmax.f32 v8, v9  }
0x144: {  	v3 =	vmax.f32 v5, v3;
	v4 =	vmax.f32 v4, v6  }
0x145: {  	v3 =	vmax.f32 v3, v4  }
0x146: {  	(xrf0) =	vmax.scan.msk.f32 $0xffff, v3;
	_ =	sdelay $0x5  }
0x147: {  	v5, _, _ =	vpop (xrf0)  }
0x148: {  	(v2sf) =	vpush v5, $0xF;
	_ =	sdelay $0xc  }
0x149: {  	s0 =	simm.s32 $0x2040  }
0x14a: {  	v4 =	vld [tilespmem:s0+$0xFFFFFFC0]  }
0x14b: {  	v6 =	vld [tilespmem:s0+$0xFFFFFFD0];
	s1 =	spop (v2sf)  }
0x14c: {  	v8 =	vld [tilespmem:s0+$0xFFFFFFE0];
	s23 =	sadd.f32 $-1.000000000e+00, s1  }
0x14d: {  	v10 =	vld [tilespmem:s0+$0xFFFFFFF0]  }
0x14e: {  	v15 =	vld [tilespmem:s0+$0x0];
	v3 =	vmov s23  }
0x14f: {  	v24 =	vld [tilespmem:s0+$0x10];
	v7 =	vimm.s32 $0x0;
	vm3 =	vgt.f32 v4, v3  }
0x150: {  	v9 =	vadd.s32 v0, v7;
	vm1 =	vgt.f32 v6, v3;
	v11 =	vsel vm3, $0x1, v1  }
0x151: {  	v16 =	vld [tilespmem:s0+$0x20];
	vm2 =	vgt.f32 v8, v3;
	v13 =	vadd.s32 v11, v7;
	v7 =	vsel vm1, $0x1, v1  }
0x152: {  	vm4 =	vgt.f32 v10, v3;
	v11 =	vadd.s32 v7, v13;
	v7 =	vsel vm2, $0x1, v1  }
0x153: {  	vm0 =	vgt.f32 v15, v3;
	v14 =	vadd.s32 v7, v11;
	v7 =	vsel vm4, $0x1, v1  }
0x154: {  	v17 =	vld [tilespmem:s0+$0x30];
	vm7 =	vgt.f32 v24, v3;
	v18 =	vadd.s32 v7, v14;
	v7 =	vsel vm0, $0x1, v1  }
0x155: {  	v19 =	vadd.s32 v7, v18;
	v7 =	vsel vm7, $0x1, v1  }
0x156: {  	vm6 =	vgt.f32 v16, v3;
	v7 =	vadd.s32 v7, v19  }
0x157: {  	s21 =	simm.s32 $0x20C0;
	v25 =	vadd.s32 v0, v7  }
0x158: {  	v12 =	vld [tilespmem:s21+$0xFFFFFFC0];
	v20 =	vsel vm6, $0x1, v1  }
0x159: {  	vm8 =	vgt.f32 v17, v3;
	v27 =	vadd.s32 v0, v19;
	v20 =	vadd.s32 v20, v7;
	v7 =	vld [tilespmem:s21+$0xFFFFFFD0]  }
0x15a: {  	vm5 =	vmmov vm4;
	[tilespmem:v9+s12+$0x0] =	vst.idx.msk vm3, v4;
	v4 =	vsel vm8, $0x1, v1;
	v9 =	vld [tilespmem:s21+$0xFFFFFFE0];
	v26 =	vadd.s32 v0, v20  }
0x15b: {  	v23 =	vadd.s32 v0, v18;
	v4 =	vadd.s32 v4, v20;
	v20 =	vadd.s32 v0, v11;
	v11 =	vld [tilespmem:s21+$0xFFFFFFF0]  }
0x15c: {  	v21 =	vadd.s32 v0, v13;
	v13 =	vld [tilespmem:s21+$0x0];
	v22 =	vadd.s32 v0, v14;
	[tilespmem:v25+s12+$0x0] =	vst.idx.msk vm6, v16;
	vm6 =	vmmov vm2  }
0x15d: {  	vm4 =	vmmov vm1;
	v14 =	vld [tilespmem:s21+$0x10];
	vm3 =	vgt.f32 v12, v3  }
0x15e: {  	v18 =	vsel vm3, $0x1, v1;
	v19 =	vadd.s32 v0, v4;
	[tilespmem:v27+s12+$0x0] =	vst.idx.msk vm7, v24;
	vm1 =	vgt.f32 v7, v3;
	v16 =	vld [tilespmem:s21+$0x20]  }
0x15f: {  	s22 =	simm.s32 $0x80;
	v18 =	vadd.s32 v18, v4;
	vm2 =	vgt.f32 v9, v3;
	[tilespmem:v26+s12+$0x0] =	vst.idx.msk vm8, v17;
	v4 =	vsel vm1, $0x1, v1;
	v17 =	vld [tilespmem:s21+$0x30]  }
.LBB2_22:
0x160: {  	s22 =	sadd.s32 $0x80, s22;
	v4 =	vadd.s32 v4, v18;
	v24 =	vsel vm2, $0x1, v1;
	vm8 =	vgt.f32 v11, v3;
	[tilespmem:v23+s12+$0x0] =	vst.idx.msk vm0, v15  }
0x161: {  	p1 =	slt.u32 s22, $0x1F80;
	v15 =	vadd.s32 v24, v4;
	v23 =	vsel vm8, $0x1, v1;
	vm0 =	vgt.f32 v13, v3;
	[tilespmem:v22+s12+$0x0] =	vst.idx.msk vm5, v10  }
0x162: {  	v23 =	vadd.s32 v23, v15;
	v10 =	vsel vm0, $0x1, v1;
	vm7 =	vgt.f32 v14, v3;
	[tilespmem:v20+s12+$0x0] =	vst.idx.msk vm6, v8  }
0x163: {  	v10 =	vadd.s32 v10, v23;
	v25 =	vsel vm7, $0x1, v1;
	vm9 =	vgt.f32 v16, v3;
	[tilespmem:v21+s12+$0x0] =	vst.idx.msk vm4, v6  }
0x164: {  	s21 =	sadd.s32 $0x80, s21;
	[tilespmem:v19+s12+$0x0] =	vst.idx.msk vm3, v12;
	v21 =	vadd.s32 v25, v10;
	v22 =	vsel vm9, $0x1, v1;
	vm10 =	vgt.f32 v17, v3  }
0x165: {  	v8 =	vmovc v9;
	v6 =	vmovc v7;
	v12 =	vld [tilespmem:s21+$0xFFFFFFC0];
	v24 =	vadd.s32 v0, v21;
	v19 =	vadd.s32 v22, v21;
	v20 =	vsel vm10, $0x1, v1  }
0x166: {  	v25 =	vadd.s32 v0, v10;
	v7 =	vld [tilespmem:s21+$0xFFFFFFD0];
	v26 =	vadd.s32 v0, v19;
	v27 =	vadd.s32 v20, v19;
	v10 =	vmovc v11  }
0x167: {  	v23 =	vadd.s32 v0, v23;
	v22 =	vadd.s32 v0, v15;
	v15 =	vmovc v13;
	v20 =	vadd.s32 v0, v4;
	v9 =	vld [tilespmem:s21+$0xFFFFFFE0]  }
.Ltmp26:
0x168: {  	vm5 =	vmmov vm8;
	v28 =	vmovc v14;
	v21 =	vadd.s32 v0, v18;
	v19 =	vadd.s32 v0, v27;
	v11 =	vld [tilespmem:s21+$0xFFFFFFF0];
	(pc) =	sbr.rel @p1 .LBB2_22-.Ltmp26, $4  }
0x169: {  	vm6 =	vmmov vm2;
	vm4 =	vmmov vm1;
	v13 =	vld [tilespmem:s21+$0x0]  }
0x16a: {  	vm3 =	vgt.f32 v12, v3;
	v14 =	vld [tilespmem:s21+$0x10];
	[tilespmem:v24+s12+$0x0] =	vst.idx.msk vm9, v16  }
0x16b: {  	v4 =	vsel vm3, $0x1, v1;
	vm1 =	vgt.f32 v7, v3;
	v16 =	vld [tilespmem:s21+$0x20];
	[tilespmem:v26+s12+$0x0] =	vst.idx.msk vm10, v17  }
0x16c: {  	v18 =	vadd.s32 v4, v27;
	v4 =	vsel vm1, $0x1, v1;
	vm2 =	vgt.f32 v9, v3;
	v17 =	vld [tilespmem:s21+$0x30];
	[tilespmem:v25+s12+$0x0] =	vst.idx.msk vm7, v28  }
0x16d: {  	v24 =	vadd.s32 v4, v18;
	v4 =	vsel vm2, $0x1, v1;
	vm9 =	vgt.f32 v11, v3  }
0x16e: {  	v25 =	vadd.s32 v4, v24;
	v4 =	vsel vm9, $0x1, v1;
	vm7 =	vgt.f32 v13, v3  }
0x16f: {  	v26 =	vadd.s32 v4, v25;
	v4 =	vsel vm7, $0x1, v1;
	vm8 =	vgt.f32 v14, v3  }
0x170: {  	v27 =	vadd.s32 v4, v26;
	v4 =	vsel vm8, $0x1, v1;
	vm10 =	vgt.f32 v16, v3  }
0x171: {  	v28 =	vadd.s32 v4, v27;
	v4 =	vsel vm10, $0x1, v1;
	vm11 =	vgt.f32 v17, v3  }
0x172: {  	v29 =	vadd.s32 v4, v28;
	v4 =	vsel vm11, $0x1, v1  }
0x173: {  	v4 =	vadd.s32 v4, v29  }
0x174: {  	v30 =	vxor.u32 $0x80000000, v4  }
0x175: {  	(xrf0) =	vmax.scan.msk.u32 $0xffff, v30;
	_ =	sdelay $0x5  }
0x176: {  	v30, _, _ =	vpop (xrf0)  }
0x177: {  	(v2sf) =	vpush v30, $0xF;
	_ =	sdelay $0xc  }
0x178: {  	vm15 =	vmmov vm2  }
0x179: {  	[tilespmem:v23+s12+$0x0] =	vst.idx.msk vm0, v15;
	vm1 =	vmmov vm1;
	v62 =	vadd.s32 v0, v24  }
0x17a: {  	[tilespmem:v22+s12+$0x0] =	vst.idx.msk vm5, v10;
	v63 =	vadd.s32 v0, v18;
	s0 =	spop (v2sf)  }
0x17b: {  	[tilespmem:v20+s12+$0x0] =	vst.idx.msk vm6, v8;
	v61 =	vadd.s32 v0, v25;
	s21 =	sxor.u32 $0x80000000, s0  }
0x17c: {  	[tilespmem:v21+s12+$0x0] =	vst.idx.msk vm4, v6;
	v6 =	vadd.s32 v0, v26;
	p1 =	sgt.s32 s21, $0x1;
	s24 =	smov.u32 s21  }
0x17d: {  	[tilespmem:v19+s12+$0x0] =	vst.idx.msk vm3, v12;
	v60 =	vadd.s32 v0, v27;
	s24 =	simm.s32 @!p1 $0x1  }
0x17e: {  	v58 =	vadd.s32 v0, v28;
	[tilespmem:v62+s12+$0x0] =	vst.idx.msk vm15, v9;
	s22 =	sand.u32 $0x7FFFFFFE, s24  }
0x17f: {  	v59 =	vadd.s32 v0, v29;
	[tilespmem:v63+s12+$0x0] =	vst.idx.msk vm1, v7;
	p1 =	seq.s32 s22, $0x0  }
.Ltmp27:
0x180: {  	[tilespmem:v61+s12+$0x0] =	vst.idx.msk vm9, v11;
	(pc) =	sbr.rel @p1 .LBB2_24-.Ltmp27, $4  }
0x181: {  	[tilespmem:v6+s12+$0x0] =	vst.idx.msk vm7, v13  }
0x182: {  	[tilespmem:v60+s12+$0x0] =	vst.idx.msk vm8, v14  }
0x183: {  	[tilespmem:v58+s12+$0x0] =	vst.idx.msk vm10, v16  }
0x184: {  	vm14 =	vmmov vm9;
	[tilespmem:v59+s12+$0x0] =	vst.idx.msk vm11, v17  }
0x185: {  	p3 =	sgt.u32 s22, $0x2  }
.Ltmp28:
0x186: {  	_ = 	snop;
	(pc) =	sbr.rel @!p3 .LBB2_54-.Ltmp28, $4  }
0x187: {  	s28 =	simm.s32 $0x0  }
0x188: {  	v7 =	vadd.s32 s28, v0;
	v8 =	vmov s28  }
0x189: {  	s25 =	simm.s32 $0x1;
	v7 =	vand.u32 $0xFFFFFF80, v7;
	v8 =	vand.u32 $0x7E, v8  }
0x18a: {  	v6 =	vimm.f32 $0.0e+00;
	s26 =	simm.s32 $0x2;
	p2 =	por $0x0, $0x0;
	v7 =	vor.u32 v8, v7;
	v8 =	vadd.s32 s25, v0  }
0x18b: {  	_ =	sdelay $0x3  }
0x18c: {  	v10 =	vld.idx.msk [tilespmem:v7+s12+$0x0], $0xffff;
	v7 =	vadd.s32 s26, v0;
	v9 =	vmov s26;
	p3 =	sgt.u32 s22, $0x4  }
.Ltmp29:
0x18d: {  	v7 =	vand.u32 $0xFFFFFF80, v7;
	v11 =	vand.u32 $0x7E, v9;
	(pc) =	sbr.rel @!p3 .LBB2_56-.Ltmp29, $4  }
0x18e: {  	v9 =	vld.idx.msk [tilespmem:v8+s12+$0x0], $0xffff;
	v7 =	vor.u32 v11, v7  }
0x18f: {  	s0 =	simm.s32 $0x3  }
0x190: {  	vm0 =	vgt.s32 v4, s28;
	v8 =	vadd.s32 s0, v0  }
0x191: {  	s28 =	simm.s32 $0x4;
	p2 =	por $0x1, $0x1;
	v11 =	vimm.f32 $0.0e+00;
	v12 =	vnsel vm0, $0xF149F2CA, v10;
	v10 =	vimm.f32 $0.0e+00  }
.LBB2_57:
0x192: {  	v13 =	vadd.s32 s28, v0;
	v12 =	vsub.f32 v12, v3;
	vm0 =	vgt.s32 v4, s25;
	s1 =	smov.u32 s28;
	s25 =	smov.u32 s0  }
0x193: {  	v14 =	vmov s28;
	s28 =	sadd.s32 $0x2, s28;
	v13 =	vand.u32 $0xFFFFFF80, v13;
	v15 =	vld.idx.msk [tilespmem:v7+s12+$0x0], $0xffff;
	v7 =	vnsel vm0, $0xF149F2CA, v9  }
0x194: {  	v9 =	vand.u32 $0x7E, v14;
	p3 =	slt.u32 s28, s22;
	vm0 =	vgt.f32 v12, $0.0e+00;
	v14 =	vsub.f32 v7, v3  }
.Ltmp30:
0x195: {  	v7 =	vor.u32 v9, v13;
	v9 =	vld.idx.msk [tilespmem:v8+s12+$0x0], $0xffff;
	v8 =	vmax.f32 v12, $0.0e+00;
	v12 =	vsel vm0, $0x3F800000, v2;
	(pc) =	sbr.rel @p3 .LBB2_57-.Ltmp30, $4  }
0x196: {  	v10 =	vadd.f32 v8, v10;
	v11 =	vadd.f32 v12, v11;
	vm0 =	vgt.f32 v14, $0.0e+00  }
0x197: {  	vm1 =	vgt.s32 v4, s26;
	s0 =	sadd.s32 $0x1, s1;
	s26 =	smov.u32 s1;
	v12 =	vmax.f32 v14, $0.0e+00;
	v13 =	vsel vm0, $0x3F800000, v2  }
0x198: {  	v8 =	vadd.s32 s0, v0;
	v10 =	vadd.f32 v12, v10;
	v11 =	vadd.f32 v13, v11  }
0x199: {  	v12 =	vnsel vm1, $0xF149F2CA, v15  }
0x19a: {  	s1 =	smov.u32 s25;
	s25 =	smov.u32 s0;
	s28 =	smov.u32 s26  }
.LBB2_59:
0x19b: {  	_ =	sdelay $0x3  }
0x19c: {  	v12 =	vsub.f32 @p2 v12, v3;
	v7 =	vld.idx.msk [tilespmem:v7+s12+$0x0], $0xffff  }
0x19d: {  	vm0 =	vgt.s32 @p2 v4, s1  }
0x19e: {  	v8 =	vld.idx.msk [tilespmem:v8+s12+$0x0], $0xffff;
	vm1 =	vgt.s32 v4, s28;
	v9 =	vnsel @p2 vm0, $0xF149F2CA, v9;
	vm0 =	vgt.f32 @p2 v12, $0.0e+00  }
0x19f: {  	v9 =	vsub.f32 @p2 v9, v3;
	v12 =	vmax.f32 @p2 v12, $0.0e+00;
	v13 =	vsel @p2 vm0, $0x3F800000, v2  }
0x1a0: {  	vm13 =	vgt.s32 v4, s25;
	v10 =	vadd.f32 @p2 v12, v10;
	v11 =	vadd.f32 @p2 v13, v11  }
0x1a1: {  	vm0 =	vgt.f32 @p2 v9, $0.0e+00;
	v9 =	vmax.f32 @p2 v9, $0.0e+00;
	v7 =	vnsel vm1, $0xF149F2CA, v7  }
0x1a2: {  	v12 =	vsel @p2 vm0, $0x3F800000, v2;
	v9 =	vadd.f32 @p2 v9, v10;
	v7 =	vsub.f32 v7, v3  }
0x1a3: {  	v8 =	vnsel vm13, $0xF149F2CA, v8;
	v10 =	vadd.f32 @p2 v12, v11  }
.Ltmp31:
0x1a4: {  	v8 =	vsub.f32 v8, v3;
	v9 =	vpsel p2, v9, v6;
	vm14 =	vgt.f32 v7, $0.0e+00;
	(pc) =	sbr.rel .LBB2_25-.Ltmp31, $4  }
0x1a5: {  	v6 =	vpsel p2, v10, v6;
	v7 =	vmax.f32 v7, $0.0e+00;
	v62 =	vsel vm14, $0x3F800000, v2  }
0x1a6: {  	vm15 =	vgt.f32 v8, $0.0e+00;
	v7 =	vadd.f32 v7, v9;
	v63 =	vadd.f32 v62, v6  }
0x1a7: {  	v6 =	vmax.f32 v8, $0.0e+00;
	v8 =	vsel vm15, $0x3F800000, v2  }
0x1a8: {  	v6 =	vadd.f32 v6, v7;
	v7 =	vadd.f32 v8, v63  }
.LBB2_24:
0x1a9: {  	v6 =	vimm.f32 $0.0e+00;
	v7 =	vimm.f32 $0.0e+00  }
.LBB2_25:
0x1aa: {  	p2 =	seq.s32 s22, s24  }
.Ltmp32:
0x1ab: {  	_ = 	snop;
	(pc) =	sbr.rel @p2 .LBB2_27-.Ltmp32, $2  }
0x1ac: {  	_ =	sdelay $0x2  }
0x1ad: {  	s0 =	smov.u32 s22  }
.LBB2_26:
0x1ae: {  	v8 =	vadd.s32 s0, v0;
	_ =	sdelay $0x4  }
0x1af: {  	v8 =	vld.idx.msk [tilespmem:v8+s12+$0x0], $0xffff;
	_ =	sdelay $0x3  }
0x1b0: {  	vm0 =	vgt.s32 v4, s0;
	s0 =	sadd.s32 $0x1, s0  }
0x1b1: {  	p3 =	sgt.s32 s21, s0;
	v8 =	vnsel vm0, $0xF149F2CA, v8  }
.Ltmp33:
0x1b2: {  	v8 =	vsub.f32 v8, v3;
	(pc) =	sbr.rel @p3 .LBB2_26-.Ltmp33, $4  }
0x1b3: {  	_ = 	snop  }
0x1b4: {  	vm15 =	vgt.f32 v8, $0.0e+00  }
0x1b5: {  	v8 =	vmax.f32 v8, $0.0e+00;
	v9 =	vsel vm15, $0x3F800000, v2  }
0x1b6: {  	v6 =	vadd.f32 v8, v6;
	v7 =	vadd.f32 v9, v7  }
.LBB2_27:
0x1b7: {  	v5 =	vadd.f32 $0.0e+00, v5;
	_ =	sdelay $0x1  }
0x1b8: {  	(v2sf) =	vpush v5, $0xF;
	_ =	sdelay $0x7  }
0x1b9: {  	(xrf2) =	vadd.scan.msk.f32 $0xffff, v6  }
0x1ba: {  	(xrf2) =	vadd.scan.msk.f32 $0xffff, v7;
	_ =	sdelay $0x5  }
0x1bb: {  	s0 =	spop (v2sf)  }
0x1bc: {  	s0 =	ssub.f32 s0, s23;
	_ =	sdelay $0x1  }
0x1bd: {  	v6, _, _ =	vpop (xrf2);
	p3 =	sgt.f32 s0, $9.999999740e-06  }
.Ltmp34:
0x1be: {  	v7, _, _ =	vpop (xrf2);
	(pc) =	sbr.rel @!p3 .LBB2_34-.Ltmp34, $4  }
.Ltmp35:
0x1bf: {  	v7 =	vadd.f32 $0.0e+00, v7;
	(pc) =	sbr.rel @p3 .LBB2_28-.Ltmp35, $4  }
0x1c0: {  	v6 =	vadd.f32 $0.0e+00, v6  }
0x1c1: {  	v5 =	vbroadcast v5, $0xF;
	v7 =	vmax.f32 v7, $1.000000000e+00  }
0x1c2: {  	v6 =	vbroadcast v6, $0xF;
	v7 =	vbroadcast v7, $0xF;
	s23 =	simm.s32 $0x0  }
0x1c3: {  	_ = 	snop  }
.LBB2_32:
0x1c4: {  	(xrf2) =	vadd.scan.msk.f32 $0xffff, v10;
	_ =	sdelay $0x9  }
0x1c5: {  	v10, _, _ =	vpop (xrf2)  }
0x1c6: {  	v10 =	vadd.f32 $0.0e+00, v10;
	_ =	sdelay $0x1  }
0x1c7: {  	v10 =	vbroadcast v10, $0xF;
	_ =	sdelay $0x1  }
0x1c8: {  	vm0 =	vgt.f32 v10, $1.000000000e+00  }
0x1c9: {  	v5 =	vsel vm0, v5, v8  }
0x1ca: {  	v3 =	vsel vm0, v8, v3;
	(v2sf) =	vpush v5, $0x0  }
0x1cb: {  	(v2sf) =	vpush v3, $0x0;
	_ =	sdelay $0x9  }
0x1cc: {  	(xrf2) =	vadd.scan.msk.f32 $0xffff, v9;
	_ =	sdelay $0x3  }
0x1cd: {  	s0 =	spop (v2sf)  }
0x1ce: {  	s1 =	spop (v2sf)  }
0x1cf: {  	s0 =	ssub.f32 s0, s1  }
0x1d0: {  	p3 =	sgt.u32 s23, $0x12  }
0x1d1: {  	p4 =	sgt.f32 @!p3 s0, $9.999999740e-06;
	_ =	sdelay $0x1  }
0x1d2: {  	v8, _, _ =	vpop (xrf2);
	p4 =	por p3, !p4  }
.Ltmp36:
0x1d3: {  	v8 =	vadd.f32 $0.0e+00, v8;
	(pc) =	sbr.rel @p4 .LBB2_33-.Ltmp36, $3  }
0x1d4: {  	_ = 	snop  }
0x1d5: {  	v8 =	vbroadcast v8, $0xF;
	_ =	sdelay $0x1  }
0x1d6: {  	s23 =	sadd.s32 $0x1, s23;
	v6 =	vsel vm0, v10, v6;
	v7 =	vsel vm0, v8, v7  }
.LBB2_28:
0x1d7: {  	(erf) = vrcp.f32 v7;
	_ =	sdelay $0x7  }
0x1d8: {  	v8 =	vadd.f32 $-1.000000000e+00, v6  }
0x1d9: {  	v9 =	vpop (erf)  }
0x1da: {  	v8 =	vmul.f32 v9, v8;
	v9 =	vadd.f32 v5, v3;
	_ =	sdelay $0x1  }
.Ltmp37:
0x1db: {  	v8 =	vadd.f32 v8, v3;
	v9 =	vmul.f32 $5.000000000e-01, v9;
	(pc) =	sbr.rel @p1 .LBB2_29-.Ltmp37, $4  }
0x1dc: {  	_ = 	snop  }
0x1dd: {  	v8 =	vmax.f32 v8, v9  }
0x1de: {  	v8 =	vmax.f32 v3, v8  }
0x1df: {  	v8 =	vmin.f32 v5, v8  }
0x1e0: {  	p4 =	sgt.u32 s22, $0x2  }
.Ltmp38:
0x1e1: {  	_ = 	snop;
	(pc) =	sbr.rel @!p4 .LBB2_61-.Ltmp38, $4  }
0x1e2: {  	s26 =	simm.s32 $0x0  }
0x1e3: {  	v10 =	vadd.s32 s26, v0;
	v11 =	vmov s26  }
0x1e4: {  	s24 =	simm.s32 $0x1;
	v10 =	vand.u32 $0xFFFFFF80, v10;
	v11 =	vand.u32 $0x7E, v11  }
0x1e5: {  	v9 =	vimm.f32 $0.0e+00;
	s25 =	simm.s32 $0x2;
	p3 =	por $0x0, $0x0;
	v10 =	vor.u32 v11, v10;
	v11 =	vadd.s32 s24, v0  }
0x1e6: {  	_ =	sdelay $0x3  }
0x1e7: {  	v13 =	vld.idx.msk [tilespmem:v10+s12+$0x0], $0xffff;
	v10 =	vadd.s32 s25, v0;
	v12 =	vmov s25;
	p4 =	sgt.u32 s22, $0x4  }
.Ltmp39:
0x1e8: {  	v10 =	vand.u32 $0xFFFFFF80, v10;
	v14 =	vand.u32 $0x7E, v12;
	(pc) =	sbr.rel @!p4 .LBB2_63-.Ltmp39, $4  }
0x1e9: {  	v12 =	vld.idx.msk [tilespmem:v11+s12+$0x0], $0xffff;
	v10 =	vor.u32 v14, v10  }
0x1ea: {  	s0 =	simm.s32 $0x3  }
0x1eb: {  	vm0 =	vgt.s32 v4, s26;
	v11 =	vadd.s32 s0, v0  }
0x1ec: {  	s26 =	simm.s32 $0x4;
	p3 =	por $0x1, $0x1;
	v14 =	vimm.f32 $0.0e+00;
	v15 =	vnsel vm0, $0xF149F2CA, v13;
	v13 =	vimm.f32 $0.0e+00  }
.LBB2_64:
0x1ed: {  	v16 =	vadd.s32 s26, v0;
	v15 =	vsub.f32 v15, v8;
	vm0 =	vgt.s32 v4, s24;
	s1 =	smov.u32 s26;
	s24 =	smov.u32 s0  }
0x1ee: {  	v17 =	vmov s26;
	s26 =	sadd.s32 $0x2, s26;
	v16 =	vand.u32 $0xFFFFFF80, v16;
	v18 =	vld.idx.msk [tilespmem:v10+s12+$0x0], $0xffff;
	v10 =	vnsel vm0, $0xF149F2CA, v12  }
0x1ef: {  	v12 =	vand.u32 $0x7E, v17;
	p4 =	slt.u32 s26, s22;
	vm0 =	vgt.f32 v15, $0.0e+00;
	v17 =	vsub.f32 v10, v8  }
.Ltmp40:
0x1f0: {  	v10 =	vor.u32 v12, v16;
	v12 =	vld.idx.msk [tilespmem:v11+s12+$0x0], $0xffff;
	v11 =	vmax.f32 v15, $0.0e+00;
	v15 =	vsel vm0, $0x3F800000, v2;
	(pc) =	sbr.rel @p4 .LBB2_64-.Ltmp40, $4  }
0x1f1: {  	v13 =	vadd.f32 v11, v13;
	v14 =	vadd.f32 v15, v14;
	vm0 =	vgt.f32 v17, $0.0e+00  }
0x1f2: {  	vm1 =	vgt.s32 v4, s25;
	s0 =	sadd.s32 $0x1, s1;
	s25 =	smov.u32 s1;
	v15 =	vmax.f32 v17, $0.0e+00;
	v16 =	vsel vm0, $0x3F800000, v2  }
0x1f3: {  	v11 =	vadd.s32 s0, v0;
	v13 =	vadd.f32 v15, v13;
	v14 =	vadd.f32 v16, v14  }
0x1f4: {  	v15 =	vnsel vm1, $0xF149F2CA, v18  }
0x1f5: {  	s1 =	smov.u32 s24;
	s24 =	smov.u32 s0;
	s26 =	smov.u32 s25  }
.LBB2_66:
0x1f6: {  	_ =	sdelay $0x3  }
0x1f7: {  	v15 =	vsub.f32 @p3 v15, v8;
	v10 =	vld.idx.msk [tilespmem:v10+s12+$0x0], $0xffff  }
0x1f8: {  	vm0 =	vgt.s32 @p3 v4, s1  }
0x1f9: {  	v11 =	vld.idx.msk [tilespmem:v11+s12+$0x0], $0xffff;
	vm1 =	vgt.s32 v4, s26;
	v12 =	vnsel @p3 vm0, $0xF149F2CA, v12;
	vm0 =	vgt.f32 @p3 v15, $0.0e+00  }
0x1fa: {  	v12 =	vsub.f32 @p3 v12, v8;
	v15 =	vmax.f32 @p3 v15, $0.0e+00;
	v16 =	vsel @p3 vm0, $0x3F800000, v2  }
0x1fb: {  	vm13 =	vgt.s32 v4, s24;
	v13 =	vadd.f32 @p3 v15, v13;
	v14 =	vadd.f32 @p3 v16, v14  }
0x1fc: {  	vm0 =	vgt.f32 @p3 v12, $0.0e+00;
	v12 =	vmax.f32 @p3 v12, $0.0e+00;
	v10 =	vnsel vm1, $0xF149F2CA, v10  }
0x1fd: {  	v15 =	vsel @p3 vm0, $0x3F800000, v2;
	v12 =	vadd.f32 @p3 v12, v13;
	v10 =	vsub.f32 v10, v8  }
0x1fe: {  	v11 =	vnsel vm13, $0xF149F2CA, v11;
	v13 =	vadd.f32 @p3 v15, v14  }
.Ltmp41:
0x1ff: {  	v11 =	vsub.f32 v11, v8;
	v12 =	vpsel p3, v12, v9;
	vm14 =	vgt.f32 v10, $0.0e+00;
	(pc) =	sbr.rel .LBB2_30-.Ltmp41, $4  }
0x200: {  	v9 =	vpsel p3, v13, v9;
	v10 =	vmax.f32 v10, $0.0e+00;
	v62 =	vsel vm14, $0x3F800000, v2  }
0x201: {  	vm15 =	vgt.f32 v11, $0.0e+00;
	v10 =	vadd.f32 v10, v12;
	v9 =	vadd.f32 v62, v9  }
0x202: {  	v11 =	vmax.f32 v11, $0.0e+00;
	v63 =	vsel vm15, $0x3F800000, v2  }
0x203: {  	v10 =	vadd.f32 v11, v10;
	v9 =	vadd.f32 v63, v9  }
.LBB2_29:
0x204: {  	v10 =	vimm.f32 $0.0e+00;
	v9 =	vimm.f32 $0.0e+00  }
.LBB2_30:
.Ltmp42:
0x205: {  	(pc) =	sbr.rel @p2 .LBB2_32-.Ltmp42, $2  }
0x206: {  	_ =	sdelay $0x2  }
0x207: {  	s0 =	smov.u32 s22  }
.LBB2_31:
0x208: {  	v11 =	vadd.s32 s0, v0;
	_ =	sdelay $0x4  }
0x209: {  	v11 =	vld.idx.msk [tilespmem:v11+s12+$0x0], $0xffff;
	_ =	sdelay $0x3  }
0x20a: {  	vm0 =	vgt.s32 v4, s0;
	s0 =	sadd.s32 $0x1, s0  }
0x20b: {  	p3 =	sgt.s32 s21, s0;
	v11 =	vnsel vm0, $0xF149F2CA, v11  }
.Ltmp43:
0x20c: {  	v11 =	vsub.f32 v11, v8;
	(pc) =	sbr.rel @p3 .LBB2_31-.Ltmp43, $4  }
0x20d: {  	_ = 	snop  }
0x20e: {  	vm15 =	vgt.f32 v11, $0.0e+00  }
0x20f: {  	v11 =	vmax.f32 v11, $0.0e+00;
	v12 =	vsel vm15, $0x3F800000, v2  }
0x210: {  	v10 =	vadd.f32 v11, v10;
	v9 =	vadd.f32 v12, v9  }
.Ltmp44:
0x211: {  	_ = 	snop;
	(pc) =	sbr.rel .LBB2_32-.Ltmp44, $1  }
0x212: {  	_ =	sdelay $0x3  }
.LBB2_61:
.Ltmp45:
0x213: {  	(pc) =	sbr.rel .LBB2_66-.Ltmp45, $2  }
0x214: {  	_ =	sdelay $0x2  }
0x215: {  	v13 =	vimm.f32 $0.0e+00;
	v14 =	vimm.f32 $0.0e+00  }
.LBB2_63:
.Ltmp46:
0x216: {  	(pc) =	sbr.rel .LBB2_66-.Ltmp46, $2  }
0x217: {  	_ =	sdelay $0x2  }
0x218: {  	s1 =	simm.s32 $0x1;
	s24 =	simm.s32 $0x3;
	v13 =	vimm.f32 $0.0e+00;
	v14 =	vimm.f32 $0.0e+00;
	s26 =	simm.s32 $0x2  }
.LBB2_33:
0x219: {  	v3 =	vpsel p3, v3, v3  }
0x21a: {  	v5 =	vpsel p3, v5, v5;
	v6 =	vpsel p3, v6, v6;
	v7 =	vpsel p3, v7, v7  }
.LBB2_34:
0x21b: {  	(erf) = vrcp.f32 v7;
	_ =	sdelay $0x8  }
0x21c: {  	s0 =	simm.s32 @!p0 $0x4;
	v4 =	vpop (erf)  }
0x21d: {  	v6 =	vadd.f32 $-1.000000000e+00, v6;
	_ =	swait.ge @!p0 [sflag:s0], $0x2000  }
0x21e: {  	[sflag:s0] =	ssyncset.done @!p0 $0x0  }
0x21f: {  	s31 =	simm.s32 $0x2040;
	v4 =	vmul.f32 v4, v6;
	[sflag:s0] =	ssyncadd.s32 @!p0 $0xFFFFE000  }
0x220: {  	v7 =	vld [tilespmem:s31+$0x30]  }
0x221: {  	v4 =	vadd.f32 v4, v3;
	v9 =	vld [tilespmem:s31+$0xFFFFFFD0]  }
0x222: {  	v11 =	vld [tilespmem:s31+$0xFFFFFFE0]  }
0x223: {  	v8 =	vld [tilespmem:s31+$0xFFFFFFF0];
	v3 =	vmax.f32 v3, v4  }
0x224: {  	v6 =	vld [tilespmem:s31+$0x0];
	v3 =	vmin.f32 v5, v3  }
0x225: {  	v4 =	vld [tilespmem:s31+$0x10];
	v12 =	vsub.f32 v7, v3  }
0x226: {  	v5 =	vld [tilespmem:s31+$0x20];
	v10 =	vsub.f32 v9, v3  }
0x227: {  	s21 =	simm.s32 $0x6040;
	s22 =	simm.s32 $0x0;
	s23 =	simm.s32 $0x20C0;
	v7 =	vld [tilespmem:s31+$0xFFFFFFC0];
	v9 =	vsub.f32 v11, v3;
	v11 =	vmax.f32 v12, $0.0e+00  }
.LBB2_35:
0x228: {  	v12 =	vld [tilespmem:s23+$0x30];
	s22 =	sadd.s32 $0x80, s22;
	v10 =	vmax.f32 v10, $0.0e+00;
	v8 =	vsub.f32 v8, v3;
	[tilespmem:s21+$0x30] =	vst v11  }
0x229: {  	v11 =	vld [tilespmem:s23+$0xFFFFFFD0];
	p0 =	slt.u32 s22, $0x1F80;
	[tilespmem:s21+$0xFFFFFFD0] =	vst v10;
	v9 =	vmax.f32 v9, $0.0e+00;
	v6 =	vsub.f32 v6, v3  }
0x22a: {  	v13 =	vld [tilespmem:s23+$0xFFFFFFE0];
	[tilespmem:s21+$0xFFFFFFE0] =	vst v9;
	v9 =	vmax.f32 v8, $0.0e+00;
	v4 =	vsub.f32 v4, v3  }
.Ltmp47:
0x22b: {  	v8 =	vld [tilespmem:s23+$0xFFFFFFF0];
	[tilespmem:s21+$0xFFFFFFF0] =	vst v9;
	v9 =	vmax.f32 v6, $0.0e+00;
	v5 =	vsub.f32 v5, v3;
	(pc) =	sbr.rel @p0 .LBB2_35-.Ltmp47, $4  }
0x22c: {  	v6 =	vld [tilespmem:s23+$0x0];
	v7 =	vsub.f32 v7, v3;
	[tilespmem:s21+$0x0] =	vst v9;
	v9 =	vmax.f32 v4, $0.0e+00  }
0x22d: {  	v4 =	vld [tilespmem:s23+$0x10];
	v12 =	vsub.f32 v12, v3;
	[tilespmem:s21+$0x10] =	vst v9;
	v9 =	vmax.f32 v5, $0.0e+00  }
0x22e: {  	v10 =	vsub.f32 v11, v3;
	v5 =	vld [tilespmem:s23+$0x20];
	v14 =	vmax.f32 v7, $0.0e+00;
	[tilespmem:s21+$0x20] =	vst v9  }
0x22f: {  	v7 =	vld [tilespmem:s23+$0xFFFFFFC0];
	v9 =	vsub.f32 v13, v3;
	v11 =	vmax.f32 v12, $0.0e+00;
	s23 =	sadd.s32 $0x80, s23;
	[tilespmem:s21+$0xFFFFFFC0] =	vst v14;
	s21 =	sadd.s32 $0x80, s21  }
0x230: {  	v10 =	vmax.f32 v10, $0.0e+00;
	v8 =	vsub.f32 v8, v3;
	[tilespmem:s21+$0x30] =	vst v11  }
0x231: {  	[tilespmem:s21+$0xFFFFFFD0] =	vst v10;
	v9 =	vmax.f32 v9, $0.0e+00;
	v6 =	vsub.f32 v6, v3  }
0x232: {  	s19 =	sadd.s32 $0x1, s19;
	[tilespmem:s21+$0xFFFFFFE0] =	vst v9;
	v8 =	vmax.f32 v8, $0.0e+00;
	v4 =	vsub.f32 v4, v3  }
0x233: {  	p0 =	sne.s32 s19, $0x20;
	[tilespmem:s21+$0xFFFFFFF0] =	vst v8;
	v6 =	vmax.f32 v6, $0.0e+00;
	v5 =	vsub.f32 v5, v3  }
.Ltmp48:
0x234: {  	v3 =	vsub.f32 v7, v3;
	[tilespmem:s21+$0x0] =	vst v6;
	v4 =	vmax.f32 v4, $0.0e+00;
	(pc) =	sbr.rel @p0 .LBB2_2-.Ltmp48, $4  }
.Ltmp49:
0x235: {  	[tilespmem:s21+$0x10] =	vst v4;
	v63 =	vmax.f32 v5, $0.0e+00;
	(pc) =	sbr.rel @!p0 .LBB2_37-.Ltmp49, $4  }
0x236: {  	v3 =	vmax.f32 v3, $0.0e+00;
	[tilespmem:s21+$0x20] =	vst v63  }
0x237: {  	s0 =	sadd.s32 s3, s20;
	[tilespmem:s21+$0xFFFFFFC0] =	vst v3  }
0x238: {  	[hbm4b:s0+s8] =	stream.strided.scatter [tilespmem:s15], [sflag:$0x4], $0x2000, s9, s8, $0x38;
	[tilespmem:$0xA000] =	vst v63  }
0x239: {  	_ = 	snop  }
.LBB2_40:
.Ltmp50:
0x23a: {  	(pc) =	sbr.rel .LBB2_45-.Ltmp50, $2  }
0x23b: {  	_ =	sdelay $0x2  }
0x23c: {  	v10 =	vimm.f32 $0.0e+00;
	v11 =	vimm.f32 $0.0e+00  }
.LBB2_54:
.Ltmp51:
0x23d: {  	(pc) =	sbr.rel .LBB2_59-.Ltmp51, $2  }
0x23e: {  	_ =	sdelay $0x2  }
0x23f: {  	v10 =	vimm.f32 $0.0e+00;
	v11 =	vimm.f32 $0.0e+00  }
.LBB2_42:
.Ltmp52:
0x240: {  	(pc) =	sbr.rel .LBB2_45-.Ltmp52, $2  }
0x241: {  	_ =	sdelay $0x2  }
0x242: {  	s1 =	simm.s32 $0x1;
	s0 =	simm.s32 $0x3;
	v10 =	vimm.f32 $0.0e+00;
	v11 =	vimm.f32 $0.0e+00;
	s31 =	simm.s32 $0x2  }
.LBB2_56:
.Ltmp53:
0x243: {  	(pc) =	sbr.rel .LBB2_59-.Ltmp53, $2  }
0x244: {  	_ =	sdelay $0x2  }
0x245: {  	s1 =	simm.s32 $0x1;
	s25 =	simm.s32 $0x3;
	v10 =	vimm.f32 $0.0e+00;
	v11 =	vimm.f32 $0.0e+00;
	s28 =	simm.s32 $0x2  }
.LBB2_38:
0x246: {  	_ =	sfence.sel $0x180000  }
0x247: {  	[bflag:$0x0] =	sbarrier.arrive $0xFFFF  }
0x248: {  	_ =	strace $0x90000047  }
0x249: {  	s0 =	stileid.u32;
	[bflag:$0x2] =	sbarrier.arrive $0xFFFF  }
0x24a: {  	p0 =	sne.s32 s0, $0x0;
	s0 =	rddreg [dreg:$0x2]  }
0x24b: {  	s0 =	sadd.s32 @!p0 $0x100000, s0  }
0x24c: {  	[sflag:s0] =	ssyncadd.tile.s32 @!p0 $0x1;
	_ =	shalt  }
.Lfunc_end2:
_tile_overlayer_lowered:
.L_overlay_start_2:
0x24d: {  	(tag) =	ssettag $0x2  }
0x24e: {  	s0 =	rddreg [dreg:$0x0];
	s2 =	stileid.u32  }
0x24f: {  	s1 =	rddreg [dreg:$0x1];
	p0 =	sne.s32 s2, $0x0  }
0x250: {  	s3 =	rddreg [dreg:$0x2];
	[bflag:$0x3] =	sbarrier.arrive $0xFFFF;
	s2 =	simm.s32 @!p0 $0x1C05  }
0x251: {  	[timem:s3], [sflag:s2] =	dma.local @!p0 [hbm:s0], s1  }
0x252: {  	s0 =	simm.s32 @!p0 $0x5  }
0x253: {  	_ =	swait.ge @!p0 [sflag:s0], s1  }
0x254: {  	s1 =	ssub.s32 @!p0 $0x0, s1;
	[sflag:s0] =	ssyncset.done @!p0 $0x0  }
0x255: {  	[sflag:s0] =	ssyncadd.s32 @!p0 s1  }
0x256: {  	[bflag:$0x3] =	sbarrier.arrive $0xFFFF  }
0x257: {  	_ =	shalt  }

</sc_bundles>
